<compile_context>
chip_gen: v7x
topology: tpu7x:2x2x1
jax: 0.10.2.dev20260603
libtpu: 0.0.44.dev20260713+nightly
codegen_flags: <defaults>
</compile_context>

<pallas_src>
import functools

import jax
import jax.numpy as jnp
from jax import lax
from jax.experimental import pallas as pl
from jax.experimental.pallas import tpu as pltpu
from jax.experimental.pallas import tpu_sc as plsc

EMB = 64
SEQ = 200
CSEQ = 2
SPLITS = ((0, 128), (128, 72))
NBUF = 2


@jax.jit
def _gather_rows(positions, table):
    info = plsc.get_sparse_core_info()
    nw = info.num_cores * info.num_subcores
    n_seq, seq = positions.shape
    per_w = n_seq // nw
    n_chunks = per_w // CSEQ
    n_outer = n_chunks // NBUF
    n_tab = table.shape[0]
    mesh = plsc.VectorSubcoreMesh(core_axis_name="c", subcore_axis_name="s")

    @functools.partial(
        pl.kernel,
        mesh=mesh,
        out_type=jax.ShapeDtypeStruct((n_seq, seq, EMB), jnp.float32),
        compiler_params=pltpu.CompilerParams(use_tc_tiling_on_sc=False),
        scratch_types=[
            pltpu.VMEM((NBUF, CSEQ, SEQ), jnp.int32),
            pltpu.VMEM((NBUF, CSEQ, SEQ, EMB), jnp.float32),
            pltpu.VMEM_SHARED((n_tab, EMB), jnp.float32),
            pltpu.SemaphoreType.DMA,
            pltpu.SemaphoreType.DMA,
            pltpu.SemaphoreType.DMA,
            pltpu.SemaphoreType.DMA,
            pltpu.SemaphoreType.DMA,
            pltpu.SemaphoreType.DMA,
        ],
    )
    def k(idx_hbm, table_hbm, out_hbm, idx_v, rows_v, table_sp,
          si0, si1, sg0, sg1, ss0, ss1):
        wid = lax.axis_index("s") * info.num_cores + lax.axis_index("c")
        seq0 = wid * per_w
        sem_i = (si0, si1)
        sem_g = (sg0, sg1)
        sem_s = (ss0, ss1)

        @pl.when(lax.axis_index("s") == 0)
        def _stage():
            pltpu.sync_copy(table_hbm, table_sp)

        plsc.subcore_barrier()

        def fire_idx(ci, b):
            cj = jnp.minimum(ci, n_chunks - 1)
            pltpu.async_copy(
                idx_hbm.at[pl.ds(seq0 + cj * CSEQ, CSEQ), :], idx_v.at[b], sem_i[b]
            )

        def wait_idx(b):
            pltpu.make_async_copy(
                idx_hbm.at[pl.ds(0, CSEQ), :], idx_v.at[b], sem_i[b]
            ).wait()

        def gather_and_store(ci, b):
            wait_idx(b)
            handles = []
            for s in range(CSEQ):
                for off, ln in SPLITS:
                    handles.append(pltpu.async_copy(
                        table_sp.at[idx_v.at[b].at[s, pl.ds(off, ln)]],
                        rows_v.at[b].at[s, pl.ds(off, ln), :],
                        sem_g[b],
                    ))
            for h in handles:
                h.wait()
            fire_idx(ci + NBUF, b)
            pltpu.async_copy(
                rows_v.at[b], out_hbm.at[pl.ds(seq0 + ci * CSEQ, CSEQ), :, :], sem_s[b]
            )

        def wait_store(b):
            pltpu.make_async_copy(
                rows_v.at[b], out_hbm.at[pl.ds(0, CSEQ), :, :], sem_s[b]
            ).wait()

        for b in range(NBUF):
            fire_idx(b, b)
        for b in range(NBUF):
            gather_and_store(b, b)

        def body(g, carry):
            for b in range(NBUF):
                ci = g * NBUF + b
                wait_store(b)
                gather_and_store(ci, b)
            return carry

        lax.fori_loop(1, n_outer, body, 0)

        for b in range(NBUF):
            wait_store(b)
            wait_idx(b)

    return k(positions, table)


def kernel(positions, weights):
    out = _gather_rows(positions.astype(jnp.int32), weights)
    return lax.stop_gradient(out)

# --- scband reference (transcript-rebuilt; emitter-appended) ---
"""Pipeline reference for scband-sinusoidal-positional-embedding-15367392985624 (READ-ONLY COPY).

The authoritative reference and input builder live on the scoring server;
editing this copy changes nothing except your own understanding.
"""

import math
import jax, jax.numpy as jnp
import numpy as np

EMBEDDING_DIM = 64
PADDING_IDX = 0
INIT_SIZE = 8192


def get_embedding(num_embeddings, embedding_dim, padding_idx=None):
    half_dim = embedding_dim // 2
    emb_scale = math.log(10000) / (half_dim - 1)
    emb = jnp.exp(jnp.arange(half_dim, dtype=jnp.float32) * -emb_scale)
    emb = jnp.arange(num_embeddings, dtype=jnp.float32)[:, None] * emb[None, :]
    emb = jnp.concatenate([jnp.sin(emb), jnp.cos(emb)], axis=1).reshape(num_embeddings, -1)
    if embedding_dim % 2 == 1:
        emb = jnp.concatenate([emb, jnp.zeros((num_embeddings, 1), dtype=jnp.float32)], axis=1)
    if padding_idx is not None:
        emb = emb.at[padding_idx, :].set(0.0)
    return emb


def setup_inputs(seed: int = 0) -> dict:
    key = jax.random.key(seed)
    positions = jax.random.randint(key, (16384, 200), 0, INIT_SIZE, dtype=jnp.int64 if jax.config.jax_enable_x64 else jnp.int32)
    weights = get_embedding(INIT_SIZE, EMBEDDING_DIM, PADDING_IDX)
    return {"positions": positions, "weights": weights}


def reference(positions, weights):
    flat = positions.reshape(-1)
    out = jnp.take(weights, flat, axis=0)
    out = out.reshape(positions.shape + (-1,))
    # torch forward calls .detach(); output values identical
    return jax.lax.stop_gradient(out)

if __name__ == "__main__":
    import jax
    _d = setup_inputs()
    print(jax.jit(kernel)(*tuple(_d.values())))

</pallas_src>

<mosaic_0001>
#map = affine_map<(d0, d1) -> (0, 0)>
#map1 = affine_map<(d0, d1) -> (0, 0, 0)>
module attributes {stable_mosaic.version = 14 : i64} {
  func.func @k(%arg0: i32, %arg1: i32, %arg2: memref<16384x200xi32, #tpu.memory_space<hbm>>, %arg3: memref<8192x64xf32, #tpu.memory_space<hbm>>, %arg4: memref<16384x200x64xf32, #tpu.memory_space<hbm>>, %arg5: memref<2x2x200xi32, #tpu.memory_space<vmem>>, %arg6: memref<2x2x200x64xf32, #tpu.memory_space<vmem>>, %arg7: memref<8192x64xf32, #tpu.memory_space<vmem_shared>>, %arg8: memref<!tpu.dma_semaphore, #tpu.memory_space<semaphore_mem>>, %arg9: memref<!tpu.dma_semaphore, #tpu.memory_space<semaphore_mem>>, %arg10: memref<!tpu.dma_semaphore, #tpu.memory_space<semaphore_mem>>, %arg11: memref<!tpu.dma_semaphore, #tpu.memory_space<semaphore_mem>>, %arg12: memref<!tpu.dma_semaphore, #tpu.memory_space<semaphore_mem>>, %arg13: memref<!tpu.dma_semaphore, #tpu.memory_space<semaphore_mem>>) attributes {dimension_semantics = [#tpu.dimension_semantics<core_parallel>, #tpu.dimension_semantics<subcore_parallel>], iteration_bounds = array<i64: 2, 16>, scalar_prefetch = 0 : i64, scratch_operands = 9 : i64, tpu.core_type = #tpu.core_type<sc_vector_subcore>, window_params = [{transform_indices = #map}, {transform_indices = #map}, {transform_indices = #map1}]} {
    %mul3A = arith.constant 2 : i32
    %mul3A_0 = arith.muli %arg1, %mul3A : i32
    %add3A = arith.addi %mul3A_0, %arg0 : i32
    %mul3A_1 = arith.constant 512 : i32
    %mul3A_2 = arith.muli %add3A, %mul3A_1 : i32
    %eq3A = arith.constant 0 : i32
    %eq3A_3 = arith.cmpi eq, %arg1, %eq3A : i32
    %convert_element_type3A = arith.extui %eq3A_3 : i1 to i32
    %cond3A = arith.constant 0 : i32
    %cond3A_4 = arith.cmpi ne, %convert_element_type3A, %cond3A : i32
    scf.if %cond3A_4 {
      "tpu.region"() ({
        %run_scoped3A = tpu.sem_alloc : memref<!tpu.dma_semaphore, #tpu.memory_space<semaphore_mem>>
        tpu.enqueue_dma source(%arg3 : memref<8192x64xf32, #tpu.memory_space<hbm>>) target(%arg7 : memref<8192x64xf32, #tpu.memory_space<vmem_shared>>) target_semaphore(%run_scoped3A : memref<!tpu.dma_semaphore, #tpu.memory_space<semaphore_mem>>)
        tpu.wait_dma2 semaphore(%run_scoped3A : memref<!tpu.dma_semaphore, #tpu.memory_space<semaphore_mem>>) src(%arg3 : memref<8192x64xf32, #tpu.memory_space<hbm>>) dst(%arg7 : memref<8192x64xf32, #tpu.memory_space<vmem_shared>>)
        tpu.yield
      }) : () -> ()
    } else {
    }
    %barrier3A = arith.constant 0 : index
    tpu.barrier barrier_id(%barrier3A)
    %min3A = arith.constant 0 : i32
    %min3A_5 = arith.constant 255 : i32
    %min3A_6 = arith.minsi %min3A, %min3A_5 : i32
    %mul3A_7 = arith.constant 2 : i32
    %mul3A_8 = arith.muli %min3A_6, %mul3A_7 : i32
    %add3A_9 = arith.addi %mul3A_2, %mul3A_8 : i32
    %dma_start3A = arith.constant 0 : i32
    %dma_start3A_10 = arith.constant 0 : i32
    %dma_start3A_11 = arith.constant 0 : i32
    %dma_start3A_12 = tpu.memref_slice %arg5[%dma_start3A, %dma_start3A_10, %dma_start3A_11] : memref<2x2x200xi32, #tpu.memory_space<vmem>> -> memref<1x2x200xi32, #tpu.memory_space<vmem>>
    %dma_start3A_13 = tpu.memref_squeeze %dma_start3A_12 : memref<1x2x200xi32, #tpu.memory_space<vmem>> -> memref<2x200xi32, #tpu.memory_space<vmem>>
    %dma_start3A_14 = arith.constant 0 : i32
    %dma_start3A_15 = tpu.memref_slice %arg2[%add3A_9, %dma_start3A_14] : memref<16384x200xi32, #tpu.memory_space<hbm>> -> memref<2x200xi32, #tpu.memory_space<hbm>>
    %dma_start3A_16 = arith.constant 0 : i32
    %dma_start3A_17 = arith.constant 0 : i32
    %dma_start3A_18 = tpu.memref_slice %arg5[%dma_start3A, %dma_start3A_16, %dma_start3A_17] : memref<2x2x200xi32, #tpu.memory_space<vmem>> -> memref<1x2x200xi32, #tpu.memory_space<vmem>>
    %dma_start3A_19 = tpu.memref_squeeze %dma_start3A_18 : memref<1x2x200xi32, #tpu.memory_space<vmem>> -> memref<2x200xi32, #tpu.memory_space<vmem>>
    %dma_start3A_20 = arith.constant 0 : i32
    %dma_start3A_21 = tpu.memref_slice %arg2[%add3A_9, %dma_start3A_20] : memref<16384x200xi32, #tpu.memory_space<hbm>> -> memref<2x200xi32, #tpu.memory_space<hbm>>
    tpu.enqueue_dma source(%dma_start3A_21 : memref<2x200xi32, #tpu.memory_space<hbm>>) target(%dma_start3A_19 : memref<2x200xi32, #tpu.memory_space<vmem>>) target_semaphore(%arg8 : memref<!tpu.dma_semaphore, #tpu.memory_space<semaphore_mem>>)
    %min3A_22 = arith.constant 1 : i32
    %min3A_23 = arith.constant 255 : i32
    %min3A_24 = arith.minsi %min3A_22, %min3A_23 : i32
    %mul3A_25 = arith.constant 2 : i32
    %mul3A_26 = arith.muli %min3A_24, %mul3A_25 : i32
    %add3A_27 = arith.addi %mul3A_2, %mul3A_26 : i32
    %dma_start3A_28 = arith.constant 1 : i32
    %dma_start3A_29 = arith.constant 0 : i32
    %dma_start3A_30 = arith.constant 0 : i32
    %dma_start3A_31 = tpu.memref_slice %arg5[%dma_start3A_28, %dma_start3A_29, %dma_start3A_30] : memref<2x2x200xi32, #tpu.memory_space<vmem>> -> memref<1x2x200xi32, #tpu.memory_space<vmem>>
    %dma_start3A_32 = tpu.memref_squeeze %dma_start3A_31 : memref<1x2x200xi32, #tpu.memory_space<vmem>> -> memref<2x200xi32, #tpu.memory_space<vmem>>
    %dma_start3A_33 = arith.constant 0 : i32
    %dma_start3A_34 = tpu.memref_slice %arg2[%add3A_27, %dma_start3A_33] : memref<16384x200xi32, #tpu.memory_space<hbm>> -> memref<2x200xi32, #tpu.memory_space<hbm>>
    %dma_start3A_35 = arith.constant 0 : i32
    %dma_start3A_36 = arith.constant 0 : i32
    %dma_start3A_37 = tpu.memref_slice %arg5[%dma_start3A_28, %dma_start3A_35, %dma_start3A_36] : memref<2x2x200xi32, #tpu.memory_space<vmem>> -> memref<1x2x200xi32, #tpu.memory_space<vmem>>
    %dma_start3A_38 = tpu.memref_squeeze %dma_start3A_37 : memref<1x2x200xi32, #tpu.memory_space<vmem>> -> memref<2x200xi32, #tpu.memory_space<vmem>>
    %dma_start3A_39 = arith.constant 0 : i32
    %dma_start3A_40 = tpu.memref_slice %arg2[%add3A_27, %dma_start3A_39] : memref<16384x200xi32, #tpu.memory_space<hbm>> -> memref<2x200xi32, #tpu.memory_space<hbm>>
    tpu.enqueue_dma source(%dma_start3A_40 : memref<2x200xi32, #tpu.memory_space<hbm>>) target(%dma_start3A_38 : memref<2x200xi32, #tpu.memory_space<vmem>>) target_semaphore(%arg9 : memref<!tpu.dma_semaphore, #tpu.memory_space<semaphore_mem>>)
    %dma_wait3A = arith.constant 0 : i32
    %dma_wait3A_41 = arith.constant 0 : i32
    %dma_wait3A_42 = arith.constant 0 : i32
    %dma_wait3A_43 = tpu.memref_slice %arg5[%dma_wait3A, %dma_wait3A_41, %dma_wait3A_42] : memref<2x2x200xi32, #tpu.memory_space<vmem>> -> memref<1x2x200xi32, #tpu.memory_space<vmem>>
    %dma_wait3A_44 = tpu.memref_squeeze %dma_wait3A_43 : memref<1x2x200xi32, #tpu.memory_space<vmem>> -> memref<2x200xi32, #tpu.memory_space<vmem>>
    %dma_wait3A_45 = arith.constant 0 : i32
    %dma_wait3A_46 = arith.constant 0 : i32
    %dma_wait3A_47 = tpu.memref_slice %arg2[%dma_wait3A_45, %dma_wait3A_46] : memref<16384x200xi32, #tpu.memory_space<hbm>> -> memref<2x200xi32, #tpu.memory_space<hbm>>
    %dma_wait3A_48 = arith.constant 0 : i32
    %dma_wait3A_49 = arith.constant 0 : i32
    %dma_wait3A_50 = tpu.memref_slice %arg5[%dma_wait3A, %dma_wait3A_48, %dma_wait3A_49] : memref<2x2x200xi32, #tpu.memory_space<vmem>> -> memref<1x2x200xi32, #tpu.memory_space<vmem>>
    %dma_wait3A_51 = tpu.memref_squeeze %dma_wait3A_50 : memref<1x2x200xi32, #tpu.memory_space<vmem>> -> memref<2x200xi32, #tpu.memory_space<vmem>>
    %dma_wait3A_52 = arith.constant 0 : i32
    %dma_wait3A_53 = arith.constant 0 : i32
    %dma_wait3A_54 = tpu.memref_slice %arg2[%dma_wait3A_52, %dma_wait3A_53] : memref<16384x200xi32, #tpu.memory_space<hbm>> -> memref<2x200xi32, #tpu.memory_space<hbm>>
    tpu.wait_dma2 semaphore(%arg8 : memref<!tpu.dma_semaphore, #tpu.memory_space<semaphore_mem>>) src(%dma_wait3A_54 : memref<2x200xi32, #tpu.memory_space<hbm>>) dst(%dma_wait3A_51 : memref<2x200xi32, #tpu.memory_space<vmem>>)
    %dma_start3A_55 = arith.constant 0 : i32
    %dma_start3A_56 = arith.constant 0 : i32
    %dma_start3A_57 = arith.constant 0 : i32
    %dma_start3A_58 = arith.constant 0 : i32
    %dma_start3A_59 = arith.constant 0 : i32
    %dma_start3A_60 = arith.constant 0 : i32
    %dma_start3A_61 = arith.constant 0 : i32
    %dma_start3A_62 = tpu.memref_slice %arg6[%dma_start3A_57, %dma_start3A_59, %dma_start3A_60, %dma_start3A_61] : memref<2x2x200x64xf32, #tpu.memory_space<vmem>> -> memref<1x2x200x64xf32, #tpu.memory_space<vmem>>
    %dma_start3A_63 = tpu.memref_squeeze %dma_start3A_62 : memref<1x2x200x64xf32, #tpu.memory_space<vmem>> -> memref<2x200x64xf32, #tpu.memory_space<vmem>>
    %dma_start3A_64 = arith.constant 0 : i32
    %dma_start3A_65 = arith.constant 0 : i32
    %dma_start3A_66 = tpu.memref_slice %dma_start3A_63[%dma_start3A_58, %dma_start3A_64, %dma_start3A_65] : memref<2x200x64xf32, #tpu.memory_space<vmem>> -> memref<1x128x64xf32, #tpu.memory_space<vmem>>
    %dma_start3A_67 = tpu.memref_squeeze %dma_start3A_66 : memref<1x128x64xf32, #tpu.memory_space<vmem>> -> memref<128x64xf32, #tpu.memory_space<vmem>>
    %dma_start3A_68 = arith.constant 0 : i32
    %dma_start3A_69 = arith.constant 0 : i32
    %dma_start3A_70 = tpu.memref_slice %arg5[%dma_start3A_55, %dma_start3A_68, %dma_start3A_69] : memref<2x2x200xi32, #tpu.memory_space<vmem>> -> memref<1x2x200xi32, #tpu.memory_space<vmem>>
    %dma_start3A_71 = tpu.memref_squeeze %dma_start3A_70 : memref<1x2x200xi32, #tpu.memory_space<vmem>> -> memref<2x200xi32, #tpu.memory_space<vmem>>
    %dma_start3A_72 = arith.constant 0 : i32
    %dma_start3A_73 = tpu.memref_slice %dma_start3A_71[%dma_start3A_56, %dma_start3A_72] : memref<2x200xi32, #tpu.memory_space<vmem>> -> memref<1x128xi32, #tpu.memory_space<vmem>>
    %dma_start3A_74 = tpu.memref_squeeze %dma_start3A_73 : memref<1x128xi32, #tpu.memory_space<vmem>> -> memref<128xi32, #tpu.memory_space<vmem>>
    %dma_start3A_75 = arith.constant 0 : i32
    %dma_start3A_76 = arith.constant 0 : i32
    %dma_start3A_77 = tpu.memref_slice %arg7[%dma_start3A_75, %dma_start3A_76] : memref<8192x64xf32, #tpu.memory_space<vmem_shared>> -> memref<8192x64xf32, #tpu.memory_space<vmem_shared>>
    tpu.enqueue_indirect_dma source(%dma_start3A_77 : memref<8192x64xf32, #tpu.memory_space<vmem_shared>>) target(%dma_start3A_67 : memref<128x64xf32, #tpu.memory_space<vmem>>) offsets(%dma_start3A_74 : memref<128xi32, #tpu.memory_space<vmem>>) semaphore(%arg10 : memref<!tpu.dma_semaphore, #tpu.memory_space<semaphore_mem>>)
    %dma_start3A_78 = arith.constant 0 : i32
    %dma_start3A_79 = arith.constant 0 : i32
    %dma_start3A_80 = arith.constant 0 : i32
    %dma_start3A_81 = arith.constant 0 : i32
    %dma_start3A_82 = arith.constant 0 : i32
    %dma_start3A_83 = arith.constant 0 : i32
    %dma_start3A_84 = arith.constant 0 : i32
    %dma_start3A_85 = tpu.memref_slice %arg6[%dma_start3A_80, %dma_start3A_82, %dma_start3A_83, %dma_start3A_84] : memref<2x2x200x64xf32, #tpu.memory_space<vmem>> -> memref<1x2x200x64xf32, #tpu.memory_space<vmem>>
    %dma_start3A_86 = tpu.memref_squeeze %dma_start3A_85 : memref<1x2x200x64xf32, #tpu.memory_space<vmem>> -> memref<2x200x64xf32, #tpu.memory_space<vmem>>
    %dma_start3A_87 = arith.constant 128 : i32
    %dma_start3A_88 = arith.constant 0 : i32
    %dma_start3A_89 = tpu.memref_slice %dma_start3A_86[%dma_start3A_81, %dma_start3A_87, %dma_start3A_88] : memref<2x200x64xf32, #tpu.memory_space<vmem>> -> memref<1x72x64xf32, #tpu.memory_space<vmem>>
    %dma_start3A_90 = tpu.memref_squeeze %dma_start3A_89 : memref<1x72x64xf32, #tpu.memory_space<vmem>> -> memref<72x64xf32, #tpu.memory_space<vmem>>
    %dma_start3A_91 = arith.constant 0 : i32
    %dma_start3A_92 = arith.constant 0 : i32
    %dma_start3A_93 = tpu.memref_slice %arg5[%dma_start3A_78, %dma_start3A_91, %dma_start3A_92] : memref<2x2x200xi32, #tpu.memory_space<vmem>> -> memref<1x2x200xi32, #tpu.memory_space<vmem>>
    %dma_start3A_94 = tpu.memref_squeeze %dma_start3A_93 : memref<1x2x200xi32, #tpu.memory_space<vmem>> -> memref<2x200xi32, #tpu.memory_space<vmem>>
    %dma_start3A_95 = arith.constant 128 : i32
    %dma_start3A_96 = tpu.memref_slice %dma_start3A_94[%dma_start3A_79, %dma_start3A_95] : memref<2x200xi32, #tpu.memory_space<vmem>> -> memref<1x72xi32, #tpu.memory_space<vmem>>
    %dma_start3A_97 = tpu.memref_squeeze %dma_start3A_96 : memref<1x72xi32, #tpu.memory_space<vmem>> -> memref<72xi32, #tpu.memory_space<vmem>>
    %dma_start3A_98 = arith.constant 0 : i32
    %dma_start3A_99 = arith.constant 0 : i32
    %dma_start3A_100 = tpu.memref_slice %arg7[%dma_start3A_98, %dma_start3A_99] : memref<8192x64xf32, #tpu.memory_space<vmem_shared>> -> memref<8192x64xf32, #tpu.memory_space<vmem_shared>>
    tpu.enqueue_indirect_dma source(%dma_start3A_100 : memref<8192x64xf32, #tpu.memory_space<vmem_shared>>) target(%dma_start3A_90 : memref<72x64xf32, #tpu.memory_space<vmem>>) offsets(%dma_start3A_97 : memref<72xi32, #tpu.memory_space<vmem>>) semaphore(%arg10 : memref<!tpu.dma_semaphore, #tpu.memory_space<semaphore_mem>>)
    %dma_start3A_101 = arith.constant 0 : i32
    %dma_start3A_102 = arith.constant 1 : i32
    %dma_start3A_103 = arith.constant 0 : i32
    %dma_start3A_104 = arith.constant 1 : i32
    %dma_start3A_105 = arith.constant 0 : i32
    %dma_start3A_106 = arith.constant 0 : i32
    %dma_start3A_107 = arith.constant 0 : i32
    %dma_start3A_108 = tpu.memref_slice %arg6[%dma_start3A_103, %dma_start3A_105, %dma_start3A_106, %dma_start3A_107] : memref<2x2x200x64xf32, #tpu.memory_space<vmem>> -> memref<1x2x200x64xf32, #tpu.memory_space<vmem>>
    %dma_start3A_109 = tpu.memref_squeeze %dma_start3A_108 : memref<1x2x200x64xf32, #tpu.memory_space<vmem>> -> memref<2x200x64xf32, #tpu.memory_space<vmem>>
    %dma_start3A_110 = arith.constant 0 : i32
    %dma_start3A_111 = arith.constant 0 : i32
    %dma_start3A_112 = tpu.memref_slice %dma_start3A_109[%dma_start3A_104, %dma_start3A_110, %dma_start3A_111] : memref<2x200x64xf32, #tpu.memory_space<vmem>> -> memref<1x128x64xf32, #tpu.memory_space<vmem>>
    %dma_start3A_113 = tpu.memref_squeeze %dma_start3A_112 : memref<1x128x64xf32, #tpu.memory_space<vmem>> -> memref<128x64xf32, #tpu.memory_space<vmem>>
    %dma_start3A_114 = arith.constant 0 : i32
    %dma_start3A_115 = arith.constant 0 : i32
    %dma_start3A_116 = tpu.memref_slice %arg5[%dma_start3A_101, %dma_start3A_114, %dma_start3A_115] : memref<2x2x200xi32, #tpu.memory_space<vmem>> -> memref<1x2x200xi32, #tpu.memory_space<vmem>>
    %dma_start3A_117 = tpu.memref_squeeze %dma_start3A_116 : memref<1x2x200xi32, #tpu.memory_space<vmem>> -> memref<2x200xi32, #tpu.memory_space<vmem>>
    %dma_start3A_118 = arith.constant 0 : i32
    %dma_start3A_119 = tpu.memref_slice %dma_start3A_117[%dma_start3A_102, %dma_start3A_118] : memref<2x200xi32, #tpu.memory_space<vmem>> -> memref<1x128xi32, #tpu.memory_space<vmem>>
    %dma_start3A_120 = tpu.memref_squeeze %dma_start3A_119 : memref<1x128xi32, #tpu.memory_space<vmem>> -> memref<128xi32, #tpu.memory_space<vmem>>
    %dma_start3A_121 = arith.constant 0 : i32
    %dma_start3A_122 = arith.constant 0 : i32
    %dma_start3A_123 = tpu.memref_slice %arg7[%dma_start3A_121, %dma_start3A_122] : memref<8192x64xf32, #tpu.memory_space<vmem_shared>> -> memref<8192x64xf32, #tpu.memory_space<vmem_shared>>
    tpu.enqueue_indirect_dma source(%dma_start3A_123 : memref<8192x64xf32, #tpu.memory_space<vmem_shared>>) target(%dma_start3A_113 : memref<128x64xf32, #tpu.memory_space<vmem>>) offsets(%dma_start3A_120 : memref<128xi32, #tpu.memory_space<vmem>>) semaphore(%arg10 : memref<!tpu.dma_semaphore, #tpu.memory_space<semaphore_mem>>)
    %dma_start3A_124 = arith.constant 0 : i32
    %dma_start3A_125 = arith.constant 1 : i32
    %dma_start3A_126 = arith.constant 0 : i32
    %dma_start3A_127 = arith.constant 1 : i32
    %dma_start3A_128 = arith.constant 0 : i32
    %dma_start3A_129 = arith.constant 0 : i32
    %dma_start3A_130 = arith.constant 0 : i32
    %dma_start3A_131 = tpu.memref_slice %arg6[%dma_start3A_126, %dma_start3A_128, %dma_start3A_129, %dma_start3A_130] : memref<2x2x200x64xf32, #tpu.memory_space<vmem>> -> memref<1x2x200x64xf32, #tpu.memory_space<vmem>>
    %dma_start3A_132 = tpu.memref_squeeze %dma_start3A_131 : memref<1x2x200x64xf32, #tpu.memory_space<vmem>> -> memref<2x200x64xf32, #tpu.memory_space<vmem>>
    %dma_start3A_133 = arith.constant 128 : i32
    %dma_start3A_134 = arith.constant 0 : i32
    %dma_start3A_135 = tpu.memref_slice %dma_start3A_132[%dma_start3A_127, %dma_start3A_133, %dma_start3A_134] : memref<2x200x64xf32, #tpu.memory_space<vmem>> -> memref<1x72x64xf32, #tpu.memory_space<vmem>>
    %dma_start3A_136 = tpu.memref_squeeze %dma_start3A_135 : memref<1x72x64xf32, #tpu.memory_space<vmem>> -> memref<72x64xf32, #tpu.memory_space<vmem>>
    %dma_start3A_137 = arith.constant 0 : i32
    %dma_start3A_138 = arith.constant 0 : i32
    %dma_start3A_139 = tpu.memref_slice %arg5[%dma_start3A_124, %dma_start3A_137, %dma_start3A_138] : memref<2x2x200xi32, #tpu.memory_space<vmem>> -> memref<1x2x200xi32, #tpu.memory_space<vmem>>
    %dma_start3A_140 = tpu.memref_squeeze %dma_start3A_139 : memref<1x2x200xi32, #tpu.memory_space<vmem>> -> memref<2x200xi32, #tpu.memory_space<vmem>>
    %dma_start3A_141 = arith.constant 128 : i32
    %dma_start3A_142 = tpu.memref_slice %dma_start3A_140[%dma_start3A_125, %dma_start3A_141] : memref<2x200xi32, #tpu.memory_space<vmem>> -> memref<1x72xi32, #tpu.memory_space<vmem>>
    %dma_start3A_143 = tpu.memref_squeeze %dma_start3A_142 : memref<1x72xi32, #tpu.memory_space<vmem>> -> memref<72xi32, #tpu.memory_space<vmem>>
    %dma_start3A_144 = arith.constant 0 : i32
    %dma_start3A_145 = arith.constant 0 : i32
    %dma_start3A_146 = tpu.memref_slice %arg7[%dma_start3A_144, %dma_start3A_145] : memref<8192x64xf32, #tpu.memory_space<vmem_shared>> -> memref<8192x64xf32, #tpu.memory_space<vmem_shared>>
    tpu.enqueue_indirect_dma source(%dma_start3A_146 : memref<8192x64xf32, #tpu.memory_space<vmem_shared>>) target(%dma_start3A_136 : memref<72x64xf32, #tpu.memory_space<vmem>>) offsets(%dma_start3A_143 : memref<72xi32, #tpu.memory_space<vmem>>) semaphore(%arg10 : memref<!tpu.dma_semaphore, #tpu.memory_space<semaphore_mem>>)
    %dma_wait3A_147 = arith.constant 0 : i32
    %dma_wait3A_148 = arith.constant 0 : i32
    %dma_wait3A_149 = arith.constant 0 : i32
    %dma_wait3A_150 = arith.constant 0 : i32
    %dma_wait3A_151 = arith.constant 0 : i32
    %dma_wait3A_152 = arith.constant 0 : i32
    %dma_wait3A_153 = arith.constant 0 : i32
    %dma_wait3A_154 = tpu.memref_slice %arg6[%dma_wait3A_149, %dma_wait3A_151, %dma_wait3A_152, %dma_wait3A_153] : memref<2x2x200x64xf32, #tpu.memory_space<vmem>> -> memref<1x2x200x64xf32, #tpu.memory_space<vmem>>
    %dma_wait3A_155 = tpu.memref_squeeze %dma_wait3A_154 : memref<1x2x200x64xf32, #tpu.memory_space<vmem>> -> memref<2x200x64xf32, #tpu.memory_space<vmem>>
    %dma_wait3A_156 = arith.constant 0 : i32
    %dma_wait3A_157 = arith.constant 0 : i32
    %dma_wait3A_158 = tpu.memref_slice %dma_wait3A_155[%dma_wait3A_150, %dma_wait3A_156, %dma_wait3A_157] : memref<2x200x64xf32, #tpu.memory_space<vmem>> -> memref<1x128x64xf32, #tpu.memory_space<vmem>>
    %dma_wait3A_159 = tpu.memref_squeeze %dma_wait3A_158 : memref<1x128x64xf32, #tpu.memory_space<vmem>> -> memref<128x64xf32, #tpu.memory_space<vmem>>
    %dma_wait3A_160 = arith.constant 0 : i32
    %dma_wait3A_161 = arith.constant 0 : i32
    %dma_wait3A_162 = tpu.memref_slice %arg5[%dma_wait3A_147, %dma_wait3A_160, %dma_wait3A_161] : memref<2x2x200xi32, #tpu.memory_space<vmem>> -> memref<1x2x200xi32, #tpu.memory_space<vmem>>
    %dma_wait3A_163 = tpu.memref_squeeze %dma_wait3A_162 : memref<1x2x200xi32, #tpu.memory_space<vmem>> -> memref<2x200xi32, #tpu.memory_space<vmem>>
    %dma_wait3A_164 = arith.constant 0 : i32
    %dma_wait3A_165 = tpu.memref_slice %dma_wait3A_163[%dma_wait3A_148, %dma_wait3A_164] : memref<2x200xi32, #tpu.memory_space<vmem>> -> memref<1x128xi32, #tpu.memory_space<vmem>>
    %dma_wait3A_166 = tpu.memref_squeeze %dma_wait3A_165 : memref<1x128xi32, #tpu.memory_space<vmem>> -> memref<128xi32, #tpu.memory_space<vmem>>
    %dma_wait3A_167 = arith.constant 0 : i32
    %dma_wait3A_168 = arith.constant 0 : i32
    %dma_wait3A_169 = tpu.memref_slice %arg7[%dma_wait3A_167, %dma_wait3A_168] : memref<8192x64xf32, #tpu.memory_space<vmem_shared>> -> memref<8192x64xf32, #tpu.memory_space<vmem_shared>>
    tpu.wait_indirect_dma semaphore(%arg10 : memref<!tpu.dma_semaphore, #tpu.memory_space<semaphore_mem>>) src(%dma_wait3A_169 : memref<8192x64xf32, #tpu.memory_space<vmem_shared>>) dst(%dma_wait3A_159 : memref<128x64xf32, #tpu.memory_space<vmem>>)
    %dma_wait3A_170 = arith.constant 0 : i32
    %dma_wait3A_171 = arith.constant 0 : i32
    %dma_wait3A_172 = arith.constant 0 : i32
    %dma_wait3A_173 = arith.constant 0 : i32
    %dma_wait3A_174 = arith.constant 0 : i32
    %dma_wait3A_175 = arith.constant 0 : i32
    %dma_wait3A_176 = arith.constant 0 : i32
    %dma_wait3A_177 = tpu.memref_slice %arg6[%dma_wait3A_172, %dma_wait3A_174, %dma_wait3A_175, %dma_wait3A_176] : memref<2x2x200x64xf32, #tpu.memory_space<vmem>> -> memref<1x2x200x64xf32, #tpu.memory_space<vmem>>
    %dma_wait3A_178 = tpu.memref_squeeze %dma_wait3A_177 : memref<1x2x200x64xf32, #tpu.memory_space<vmem>> -> memref<2x200x64xf32, #tpu.memory_space<vmem>>
    %dma_wait3A_179 = arith.constant 128 : i32
    %dma_wait3A_180 = arith.constant 0 : i32
    %dma_wait3A_181 = tpu.memref_slice %dma_wait3A_178[%dma_wait3A_173, %dma_wait3A_179, %dma_wait3A_180] : memref<2x200x64xf32, #tpu.memory_space<vmem>> -> memref<1x72x64xf32, #tpu.memory_space<vmem>>
    %dma_wait3A_182 = tpu.memref_squeeze %dma_wait3A_181 : memref<1x72x64xf32, #tpu.memory_space<vmem>> -> memref<72x64xf32, #tpu.memory_space<vmem>>
    %dma_wait3A_183 = arith.constant 0 : i32
    %dma_wait3A_184 = arith.constant 0 : i32
    %dma_wait3A_185 = tpu.memref_slice %arg5[%dma_wait3A_170, %dma_wait3A_183, %dma_wait3A_184] : memref<2x2x200xi32, #tpu.memory_space<vmem>> -> memref<1x2x200xi32, #tpu.memory_space<vmem>>
    %dma_wait3A_186 = tpu.memref_squeeze %dma_wait3A_185 : memref<1x2x200xi32, #tpu.memory_space<vmem>> -> memref<2x200xi32, #tpu.memory_space<vmem>>
    %dma_wait3A_187 = arith.constant 128 : i32
    %dma_wait3A_188 = tpu.memref_slice %dma_wait3A_186[%dma_wait3A_171, %dma_wait3A_187] : memref<2x200xi32, #tpu.memory_space<vmem>> -> memref<1x72xi32, #tpu.memory_space<vmem>>
    %dma_wait3A_189 = tpu.memref_squeeze %dma_wait3A_188 : memref<1x72xi32, #tpu.memory_space<vmem>> -> memref<72xi32, #tpu.memory_space<vmem>>
    %dma_wait3A_190 = arith.constant 0 : i32
    %dma_wait3A_191 = arith.constant 0 : i32
    %dma_wait3A_192 = tpu.memref_slice %arg7[%dma_wait3A_190, %dma_wait3A_191] : memref<8192x64xf32, #tpu.memory_space<vmem_shared>> -> memref<8192x64xf32, #tpu.memory_space<vmem_shared>>
    tpu.wait_indirect_dma semaphore(%arg10 : memref<!tpu.dma_semaphore, #tpu.memory_space<semaphore_mem>>) src(%dma_wait3A_192 : memref<8192x64xf32, #tpu.memory_space<vmem_shared>>) dst(%dma_wait3A_182 : memref<72x64xf32, #tpu.memory_space<vmem>>)
    %dma_wait3A_193 = arith.constant 0 : i32
    %dma_wait3A_194 = arith.constant 1 : i32
    %dma_wait3A_195 = arith.constant 0 : i32
    %dma_wait3A_196 = arith.constant 1 : i32
    %dma_wait3A_197 = arith.constant 0 : i32
    %dma_wait3A_198 = arith.constant 0 : i32
    %dma_wait3A_199 = arith.constant 0 : i32
    %dma_wait3A_200 = tpu.memref_slice %arg6[%dma_wait3A_195, %dma_wait3A_197, %dma_wait3A_198, %dma_wait3A_199] : memref<2x2x200x64xf32, #tpu.memory_space<vmem>> -> memref<1x2x200x64xf32, #tpu.memory_space<vmem>>
    %dma_wait3A_201 = tpu.memref_squeeze %dma_wait3A_200 : memref<1x2x200x64xf32, #tpu.memory_space<vmem>> -> memref<2x200x64xf32, #tpu.memory_space<vmem>>
    %dma_wait3A_202 = arith.constant 0 : i32
    %dma_wait3A_203 = arith.constant 0 : i32
    %dma_wait3A_204 = tpu.memref_slice %dma_wait3A_201[%dma_wait3A_196, %dma_wait3A_202, %dma_wait3A_203] : memref<2x200x64xf32, #tpu.memory_space<vmem>> -> memref<1x128x64xf32, #tpu.memory_space<vmem>>
    %dma_wait3A_205 = tpu.memref_squeeze %dma_wait3A_204 : memref<1x128x64xf32, #tpu.memory_space<vmem>> -> memref<128x64xf32, #tpu.memory_space<vmem>>
    %dma_wait3A_206 = arith.constant 0 : i32
    %dma_wait3A_207 = arith.constant 0 : i32
    %dma_wait3A_208 = tpu.memref_slice %arg5[%dma_wait3A_193, %dma_wait3A_206, %dma_wait3A_207] : memref<2x2x200xi32, #tpu.memory_space<vmem>> -> memref<1x2x200xi32, #tpu.memory_space<vmem>>
    %dma_wait3A_209 = tpu.memref_squeeze %dma_wait3A_208 : memref<1x2x200xi32, #tpu.memory_space<vmem>> -> memref<2x200xi32, #tpu.memory_space<vmem>>
    %dma_wait3A_210 = arith.constant 0 : i32
    %dma_wait3A_211 = tpu.memref_slice %dma_wait3A_209[%dma_wait3A_194, %dma_wait3A_210] : memref<2x200xi32, #tpu.memory_space<vmem>> -> memref<1x128xi32, #tpu.memory_space<vmem>>
    %dma_wait3A_212 = tpu.memref_squeeze %dma_wait3A_211 : memref<1x128xi32, #tpu.memory_space<vmem>> -> memref<128xi32, #tpu.memory_space<vmem>>
    %dma_wait3A_213 = arith.constant 0 : i32
    %dma_wait3A_214 = arith.constant 0 : i32
    %dma_wait3A_215 = tpu.memref_slice %arg7[%dma_wait3A_213, %dma_wait3A_214] : memref<8192x64xf32, #tpu.memory_space<vmem_shared>> -> memref<8192x64xf32, #tpu.memory_space<vmem_shared>>
    tpu.wait_indirect_dma semaphore(%arg10 : memref<!tpu.dma_semaphore, #tpu.memory_space<semaphore_mem>>) src(%dma_wait3A_215 : memref<8192x64xf32, #tpu.memory_space<vmem_shared>>) dst(%dma_wait3A_205 : memref<128x64xf32, #tpu.memory_space<vmem>>)
    %dma_wait3A_216 = arith.constant 0 : i32
    %dma_wait3A_217 = arith.constant 1 : i32
    %dma_wait3A_218 = arith.constant 0 : i32
    %dma_wait3A_219 = arith.constant 1 : i32
    %dma_wait3A_220 = arith.constant 0 : i32
    %dma_wait3A_221 = arith.constant 0 : i32
    %dma_wait3A_222 = arith.constant 0 : i32
    %dma_wait3A_223 = tpu.memref_slice %arg6[%dma_wait3A_218, %dma_wait3A_220, %dma_wait3A_221, %dma_wait3A_222] : memref<2x2x200x64xf32, #tpu.memory_space<vmem>> -> memref<1x2x200x64xf32, #tpu.memory_space<vmem>>
    %dma_wait3A_224 = tpu.memref_squeeze %dma_wait3A_223 : memref<1x2x200x64xf32, #tpu.memory_space<vmem>> -> memref<2x200x64xf32, #tpu.memory_space<vmem>>
    %dma_wait3A_225 = arith.constant 128 : i32
    %dma_wait3A_226 = arith.constant 0 : i32
    %dma_wait3A_227 = tpu.memref_slice %dma_wait3A_224[%dma_wait3A_219, %dma_wait3A_225, %dma_wait3A_226] : memref<2x200x64xf32, #tpu.memory_space<vmem>> -> memref<1x72x64xf32, #tpu.memory_space<vmem>>
    %dma_wait3A_228 = tpu.memref_squeeze %dma_wait3A_227 : memref<1x72x64xf32, #tpu.memory_space<vmem>> -> memref<72x64xf32, #tpu.memory_space<vmem>>
    %dma_wait3A_229 = arith.constant 0 : i32
    %dma_wait3A_230 = arith.constant 0 : i32
    %dma_wait3A_231 = tpu.memref_slice %arg5[%dma_wait3A_216, %dma_wait3A_229, %dma_wait3A_230] : memref<2x2x200xi32, #tpu.memory_space<vmem>> -> memref<1x2x200xi32, #tpu.memory_space<vmem>>
    %dma_wait3A_232 = tpu.memref_squeeze %dma_wait3A_231 : memref<1x2x200xi32, #tpu.memory_space<vmem>> -> memref<2x200xi32, #tpu.memory_space<vmem>>
    %dma_wait3A_233 = arith.constant 128 : i32
    %dma_wait3A_234 = tpu.memref_slice %dma_wait3A_232[%dma_wait3A_217, %dma_wait3A_233] : memref<2x200xi32, #tpu.memory_space<vmem>> -> memref<1x72xi32, #tpu.memory_space<vmem>>
    %dma_wait3A_235 = tpu.memref_squeeze %dma_wait3A_234 : memref<1x72xi32, #tpu.memory_space<vmem>> -> memref<72xi32, #tpu.memory_space<vmem>>
    %dma_wait3A_236 = arith.constant 0 : i32
    %dma_wait3A_237 = arith.constant 0 : i32
    %dma_wait3A_238 = tpu.memref_slice %arg7[%dma_wait3A_236, %dma_wait3A_237] : memref<8192x64xf32, #tpu.memory_space<vmem_shared>> -> memref<8192x64xf32, #tpu.memory_space<vmem_shared>>
    tpu.wait_indirect_dma semaphore(%arg10 : memref<!tpu.dma_semaphore, #tpu.memory_space<semaphore_mem>>) src(%dma_wait3A_238 : memref<8192x64xf32, #tpu.memory_space<vmem_shared>>) dst(%dma_wait3A_228 : memref<72x64xf32, #tpu.memory_space<vmem>>)
    %min3A_239 = arith.constant 2 : i32
    %min3A_240 = arith.constant 255 : i32
    %min3A_241 = arith.minsi %min3A_239, %min3A_240 : i32
    %mul3A_242 = arith.constant 2 : i32
    %mul3A_243 = arith.muli %min3A_241, %mul3A_242 : i32
    %add3A_244 = arith.addi %mul3A_2, %mul3A_243 : i32
    %dma_start3A_245 = arith.constant 0 : i32
    %dma_start3A_246 = arith.constant 0 : i32
    %dma_start3A_247 = arith.constant 0 : i32
    %dma_start3A_248 = tpu.memref_slice %arg5[%dma_start3A_245, %dma_start3A_246, %dma_start3A_247] : memref<2x2x200xi32, #tpu.memory_space<vmem>> -> memref<1x2x200xi32, #tpu.memory_space<vmem>>
    %dma_start3A_249 = tpu.memref_squeeze %dma_start3A_248 : memref<1x2x200xi32, #tpu.memory_space<vmem>> -> memref<2x200xi32, #tpu.memory_space<vmem>>
    %dma_start3A_250 = arith.constant 0 : i32
    %dma_start3A_251 = tpu.memref_slice %arg2[%add3A_244, %dma_start3A_250] : memref<16384x200xi32, #tpu.memory_space<hbm>> -> memref<2x200xi32, #tpu.memory_space<hbm>>
    %dma_start3A_252 = arith.constant 0 : i32
    %dma_start3A_253 = arith.constant 0 : i32
    %dma_start3A_254 = tpu.memref_slice %arg5[%dma_start3A_245, %dma_start3A_252, %dma_start3A_253] : memref<2x2x200xi32, #tpu.memory_space<vmem>> -> memref<1x2x200xi32, #tpu.memory_space<vmem>>
    %dma_start3A_255 = tpu.memref_squeeze %dma_start3A_254 : memref<1x2x200xi32, #tpu.memory_space<vmem>> -> memref<2x200xi32, #tpu.memory_space<vmem>>
    %dma_start3A_256 = arith.constant 0 : i32
    %dma_start3A_257 = tpu.memref_slice %arg2[%add3A_244, %dma_start3A_256] : memref<16384x200xi32, #tpu.memory_space<hbm>> -> memref<2x200xi32, #tpu.memory_space<hbm>>
    tpu.enqueue_dma source(%dma_start3A_257 : memref<2x200xi32, #tpu.memory_space<hbm>>) target(%dma_start3A_255 : memref<2x200xi32, #tpu.memory_space<vmem>>) target_semaphore(%arg8 : memref<!tpu.dma_semaphore, #tpu.memory_space<semaphore_mem>>)
    %add3A_258 = arith.constant 0 : i32
    %add3A_259 = arith.addi %mul3A_2, %add3A_258 : i32
    %dma_start3A_260 = arith.constant 0 : i32
    %dma_start3A_261 = arith.constant 0 : i32
    %dma_start3A_262 = arith.constant 0 : i32
    %dma_start3A_263 = arith.constant 0 : i32
    %dma_start3A_264 = tpu.memref_slice %arg6[%dma_start3A_260, %dma_start3A_261, %dma_start3A_262, %dma_start3A_263] : memref<2x2x200x64xf32, #tpu.memory_space<vmem>> -> memref<1x2x200x64xf32, #tpu.memory_space<vmem>>
    %dma_start3A_265 = tpu.memref_squeeze %dma_start3A_264 : memref<1x2x200x64xf32, #tpu.memory_space<vmem>> -> memref<2x200x64xf32, #tpu.memory_space<vmem>>
    %dma_start3A_266 = arith.constant 0 : i32
    %dma_start3A_267 = arith.constant 0 : i32
    %dma_start3A_268 = tpu.memref_slice %arg4[%add3A_259, %dma_start3A_266, %dma_start3A_267] : memref<16384x200x64xf32, #tpu.memory_space<hbm>> -> memref<2x200x64xf32, #tpu.memory_space<hbm>>
    %dma_start3A_269 = arith.constant 0 : i32
    %dma_start3A_270 = arith.constant 0 : i32
    %dma_start3A_271 = tpu.memref_slice %arg4[%add3A_259, %dma_start3A_269, %dma_start3A_270] : memref<16384x200x64xf32, #tpu.memory_space<hbm>> -> memref<2x200x64xf32, #tpu.memory_space<hbm>>
    %dma_start3A_272 = arith.constant 0 : i32
    %dma_start3A_273 = arith.constant 0 : i32
    %dma_start3A_274 = arith.constant 0 : i32
    %dma_start3A_275 = tpu.memref_slice %arg6[%dma_start3A_260, %dma_start3A_272, %dma_start3A_273, %dma_start3A_274] : memref<2x2x200x64xf32, #tpu.memory_space<vmem>> -> memref<1x2x200x64xf32, #tpu.memory_space<vmem>>
    %dma_start3A_276 = tpu.memref_squeeze %dma_start3A_275 : memref<1x2x200x64xf32, #tpu.memory_space<vmem>> -> memref<2x200x64xf32, #tpu.memory_space<vmem>>
    tpu.enqueue_dma source(%dma_start3A_276 : memref<2x200x64xf32, #tpu.memory_space<vmem>>) target(%dma_start3A_271 : memref<2x200x64xf32, #tpu.memory_space<hbm>>) target_semaphore(%arg12 : memref<!tpu.dma_semaphore, #tpu.memory_space<semaphore_mem>>)
    %dma_wait3A_277 = arith.constant 1 : i32
    %dma_wait3A_278 = arith.constant 0 : i32
    %dma_wait3A_279 = arith.constant 0 : i32
    %dma_wait3A_280 = tpu.memref_slice %arg5[%dma_wait3A_277, %dma_wait3A_278, %dma_wait3A_279] : memref<2x2x200xi32, #tpu.memory_space<vmem>> -> memref<1x2x200xi32, #tpu.memory_space<vmem>>
    %dma_wait3A_281 = tpu.memref_squeeze %dma_wait3A_280 : memref<1x2x200xi32, #tpu.memory_space<vmem>> -> memref<2x200xi32, #tpu.memory_space<vmem>>
    %dma_wait3A_282 = arith.constant 0 : i32
    %dma_wait3A_283 = arith.constant 0 : i32
    %dma_wait3A_284 = tpu.memref_slice %arg2[%dma_wait3A_282, %dma_wait3A_283] : memref<16384x200xi32, #tpu.memory_space<hbm>> -> memref<2x200xi32, #tpu.memory_space<hbm>>
    %dma_wait3A_285 = arith.constant 0 : i32
    %dma_wait3A_286 = arith.constant 0 : i32
    %dma_wait3A_287 = tpu.memref_slice %arg5[%dma_wait3A_277, %dma_wait3A_285, %dma_wait3A_286] : memref<2x2x200xi32, #tpu.memory_space<vmem>> -> memref<1x2x200xi32, #tpu.memory_space<vmem>>
    %dma_wait3A_288 = tpu.memref_squeeze %dma_wait3A_287 : memref<1x2x200xi32, #tpu.memory_space<vmem>> -> memref<2x200xi32, #tpu.memory_space<vmem>>
    %dma_wait3A_289 = arith.constant 0 : i32
    %dma_wait3A_290 = arith.constant 0 : i32
    %dma_wait3A_291 = tpu.memref_slice %arg2[%dma_wait3A_289, %dma_wait3A_290] : memref<16384x200xi32, #tpu.memory_space<hbm>> -> memref<2x200xi32, #tpu.memory_space<hbm>>
    tpu.wait_dma2 semaphore(%arg9 : memref<!tpu.dma_semaphore, #tpu.memory_space<semaphore_mem>>) src(%dma_wait3A_291 : memref<2x200xi32, #tpu.memory_space<hbm>>) dst(%dma_wait3A_288 : memref<2x200xi32, #tpu.memory_space<vmem>>)
    %dma_start3A_292 = arith.constant 1 : i32
    %dma_start3A_293 = arith.constant 0 : i32
    %dma_start3A_294 = arith.constant 1 : i32
    %dma_start3A_295 = arith.constant 0 : i32
    %dma_start3A_296 = arith.constant 0 : i32
    %dma_start3A_297 = arith.constant 0 : i32
    %dma_start3A_298 = arith.constant 0 : i32
    %dma_start3A_299 = tpu.memref_slice %arg6[%dma_start3A_294, %dma_start3A_296, %dma_start3A_297, %dma_start3A_298] : memref<2x2x200x64xf32, #tpu.memory_space<vmem>> -> memref<1x2x200x64xf32, #tpu.memory_space<vmem>>
    %dma_start3A_300 = tpu.memref_squeeze %dma_start3A_299 : memref<1x2x200x64xf32, #tpu.memory_space<vmem>> -> memref<2x200x64xf32, #tpu.memory_space<vmem>>
    %dma_start3A_301 = arith.constant 0 : i32
    %dma_start3A_302 = arith.constant 0 : i32
    %dma_start3A_303 = tpu.memref_slice %dma_start3A_300[%dma_start3A_295, %dma_start3A_301, %dma_start3A_302] : memref<2x200x64xf32, #tpu.memory_space<vmem>> -> memref<1x128x64xf32, #tpu.memory_space<vmem>>
    %dma_start3A_304 = tpu.memref_squeeze %dma_start3A_303 : memref<1x128x64xf32, #tpu.memory_space<vmem>> -> memref<128x64xf32, #tpu.memory_space<vmem>>
    %dma_start3A_305 = arith.constant 0 : i32
    %dma_start3A_306 = arith.constant 0 : i32
    %dma_start3A_307 = tpu.memref_slice %arg5[%dma_start3A_292, %dma_start3A_305, %dma_start3A_306] : memref<2x2x200xi32, #tpu.memory_space<vmem>> -> memref<1x2x200xi32, #tpu.memory_space<vmem>>
    %dma_start3A_308 = tpu.memref_squeeze %dma_start3A_307 : memref<1x2x200xi32, #tpu.memory_space<vmem>> -> memref<2x200xi32, #tpu.memory_space<vmem>>
    %dma_start3A_309 = arith.constant 0 : i32
    %dma_start3A_310 = tpu.memref_slice %dma_start3A_308[%dma_start3A_293, %dma_start3A_309] : memref<2x200xi32, #tpu.memory_space<vmem>> -> memref<1x128xi32, #tpu.memory_space<vmem>>
    %dma_start3A_311 = tpu.memref_squeeze %dma_start3A_310 : memref<1x128xi32, #tpu.memory_space<vmem>> -> memref<128xi32, #tpu.memory_space<vmem>>
    %dma_start3A_312 = arith.constant 0 : i32
    %dma_start3A_313 = arith.constant 0 : i32
    %dma_start3A_314 = tpu.memref_slice %arg7[%dma_start3A_312, %dma_start3A_313] : memref<8192x64xf32, #tpu.memory_space<vmem_shared>> -> memref<8192x64xf32, #tpu.memory_space<vmem_shared>>
    tpu.enqueue_indirect_dma source(%dma_start3A_314 : memref<8192x64xf32, #tpu.memory_space<vmem_shared>>) target(%dma_start3A_304 : memref<128x64xf32, #tpu.memory_space<vmem>>) offsets(%dma_start3A_311 : memref<128xi32, #tpu.memory_space<vmem>>) semaphore(%arg11 : memref<!tpu.dma_semaphore, #tpu.memory_space<semaphore_mem>>)
    %dma_start3A_315 = arith.constant 1 : i32
    %dma_start3A_316 = arith.constant 0 : i32
    %dma_start3A_317 = arith.constant 1 : i32
    %dma_start3A_318 = arith.constant 0 : i32
    %dma_start3A_319 = arith.constant 0 : i32
    %dma_start3A_320 = arith.constant 0 : i32
    %dma_start3A_321 = arith.constant 0 : i32
    %dma_start3A_322 = tpu.memref_slice %arg6[%dma_start3A_317, %dma_start3A_319, %dma_start3A_320, %dma_start3A_321] : memref<2x2x200x64xf32, #tpu.memory_space<vmem>> -> memref<1x2x200x64xf32, #tpu.memory_space<vmem>>
    %dma_start3A_323 = tpu.memref_squeeze %dma_start3A_322 : memref<1x2x200x64xf32, #tpu.memory_space<vmem>> -> memref<2x200x64xf32, #tpu.memory_space<vmem>>
    %dma_start3A_324 = arith.constant 128 : i32
    %dma_start3A_325 = arith.constant 0 : i32
    %dma_start3A_326 = tpu.memref_slice %dma_start3A_323[%dma_start3A_318, %dma_start3A_324, %dma_start3A_325] : memref<2x200x64xf32, #tpu.memory_space<vmem>> -> memref<1x72x64xf32, #tpu.memory_space<vmem>>
    %dma_start3A_327 = tpu.memref_squeeze %dma_start3A_326 : memref<1x72x64xf32, #tpu.memory_space<vmem>> -> memref<72x64xf32, #tpu.memory_space<vmem>>
    %dma_start3A_328 = arith.constant 0 : i32
    %dma_start3A_329 = arith.constant 0 : i32
    %dma_start3A_330 = tpu.memref_slice %arg5[%dma_start3A_315, %dma_start3A_328, %dma_start3A_329] : memref<2x2x200xi32, #tpu.memory_space<vmem>> -> memref<1x2x200xi32, #tpu.memory_space<vmem>>
    %dma_start3A_331 = tpu.memref_squeeze %dma_start3A_330 : memref<1x2x200xi32, #tpu.memory_space<vmem>> -> memref<2x200xi32, #tpu.memory_space<vmem>>
    %dma_start3A_332 = arith.constant 128 : i32
    %dma_start3A_333 = tpu.memref_slice %dma_start3A_331[%dma_start3A_316, %dma_start3A_332] : memref<2x200xi32, #tpu.memory_space<vmem>> -> memref<1x72xi32, #tpu.memory_space<vmem>>
    %dma_start3A_334 = tpu.memref_squeeze %dma_start3A_333 : memref<1x72xi32, #tpu.memory_space<vmem>> -> memref<72xi32, #tpu.memory_space<vmem>>
    %dma_start3A_335 = arith.constant 0 : i32
    %dma_start3A_336 = arith.constant 0 : i32
    %dma_start3A_337 = tpu.memref_slice %arg7[%dma_start3A_335, %dma_start3A_336] : memref<8192x64xf32, #tpu.memory_space<vmem_shared>> -> memref<8192x64xf32, #tpu.memory_space<vmem_shared>>
    tpu.enqueue_indirect_dma source(%dma_start3A_337 : memref<8192x64xf32, #tpu.memory_space<vmem_shared>>) target(%dma_start3A_327 : memref<72x64xf32, #tpu.memory_space<vmem>>) offsets(%dma_start3A_334 : memref<72xi32, #tpu.memory_space<vmem>>) semaphore(%arg11 : memref<!tpu.dma_semaphore, #tpu.memory_space<semaphore_mem>>)
    %dma_start3A_338 = arith.constant 1 : i32
    %dma_start3A_339 = arith.constant 1 : i32
    %dma_start3A_340 = arith.constant 1 : i32
    %dma_start3A_341 = arith.constant 1 : i32
    %dma_start3A_342 = arith.constant 0 : i32
    %dma_start3A_343 = arith.constant 0 : i32
    %dma_start3A_344 = arith.constant 0 : i32
    %dma_start3A_345 = tpu.memref_slice %arg6[%dma_start3A_340, %dma_start3A_342, %dma_start3A_343, %dma_start3A_344] : memref<2x2x200x64xf32, #tpu.memory_space<vmem>> -> memref<1x2x200x64xf32, #tpu.memory_space<vmem>>
    %dma_start3A_346 = tpu.memref_squeeze %dma_start3A_345 : memref<1x2x200x64xf32, #tpu.memory_space<vmem>> -> memref<2x200x64xf32, #tpu.memory_space<vmem>>
    %dma_start3A_347 = arith.constant 0 : i32
    %dma_start3A_348 = arith.constant 0 : i32
    %dma_start3A_349 = tpu.memref_slice %dma_start3A_346[%dma_start3A_341, %dma_start3A_347, %dma_start3A_348] : memref<2x200x64xf32, #tpu.memory_space<vmem>> -> memref<1x128x64xf32, #tpu.memory_space<vmem>>
    %dma_start3A_350 = tpu.memref_squeeze %dma_start3A_349 : memref<1x128x64xf32, #tpu.memory_space<vmem>> -> memref<128x64xf32, #tpu.memory_space<vmem>>
    %dma_start3A_351 = arith.constant 0 : i32
    %dma_start3A_352 = arith.constant 0 : i32
    %dma_start3A_353 = tpu.memref_slice %arg5[%dma_start3A_338, %dma_start3A_351, %dma_start3A_352] : memref<2x2x200xi32, #tpu.memory_space<vmem>> -> memref<1x2x200xi32, #tpu.memory_space<vmem>>
    %dma_start3A_354 = tpu.memref_squeeze %dma_start3A_353 : memref<1x2x200xi32, #tpu.memory_space<vmem>> -> memref<2x200xi32, #tpu.memory_space<vmem>>
    %dma_start3A_355 = arith.constant 0 : i32
    %dma_start3A_356 = tpu.memref_slice %dma_start3A_354[%dma_start3A_339, %dma_start3A_355] : memref<2x200xi32, #tpu.memory_space<vmem>> -> memref<1x128xi32, #tpu.memory_space<vmem>>
    %dma_start3A_357 = tpu.memref_squeeze %dma_start3A_356 : memref<1x128xi32, #tpu.memory_space<vmem>> -> memref<128xi32, #tpu.memory_space<vmem>>
    %dma_start3A_358 = arith.constant 0 : i32
    %dma_start3A_359 = arith.constant 0 : i32
    %dma_start3A_360 = tpu.memref_slice %arg7[%dma_start3A_358, %dma_start3A_359] : memref<8192x64xf32, #tpu.memory_space<vmem_shared>> -> memref<8192x64xf32, #tpu.memory_space<vmem_shared>>
    tpu.enqueue_indirect_dma source(%dma_start3A_360 : memref<8192x64xf32, #tpu.memory_space<vmem_shared>>) target(%dma_start3A_350 : memref<128x64xf32, #tpu.memory_space<vmem>>) offsets(%dma_start3A_357 : memref<128xi32, #tpu.memory_space<vmem>>) semaphore(%arg11 : memref<!tpu.dma_semaphore, #tpu.memory_space<semaphore_mem>>)
    %dma_start3A_361 = arith.constant 1 : i32
    %dma_start3A_362 = arith.constant 1 : i32
    %dma_start3A_363 = arith.constant 1 : i32
    %dma_start3A_364 = arith.constant 1 : i32
    %dma_start3A_365 = arith.constant 0 : i32
    %dma_start3A_366 = arith.constant 0 : i32
    %dma_start3A_367 = arith.constant 0 : i32
    %dma_start3A_368 = tpu.memref_slice %arg6[%dma_start3A_363, %dma_start3A_365, %dma_start3A_366, %dma_start3A_367] : memref<2x2x200x64xf32, #tpu.memory_space<vmem>> -> memref<1x2x200x64xf32, #tpu.memory_space<vmem>>
    %dma_start3A_369 = tpu.memref_squeeze %dma_start3A_368 : memref<1x2x200x64xf32, #tpu.memory_space<vmem>> -> memref<2x200x64xf32, #tpu.memory_space<vmem>>
    %dma_start3A_370 = arith.constant 128 : i32
    %dma_start3A_371 = arith.constant 0 : i32
    %dma_start3A_372 = tpu.memref_slice %dma_start3A_369[%dma_start3A_364, %dma_start3A_370, %dma_start3A_371] : memref<2x200x64xf32, #tpu.memory_space<vmem>> -> memref<1x72x64xf32, #tpu.memory_space<vmem>>
    %dma_start3A_373 = tpu.memref_squeeze %dma_start3A_372 : memref<1x72x64xf32, #tpu.memory_space<vmem>> -> memref<72x64xf32, #tpu.memory_space<vmem>>
    %dma_start3A_374 = arith.constant 0 : i32
    %dma_start3A_375 = arith.constant 0 : i32
    %dma_start3A_376 = tpu.memref_slice %arg5[%dma_start3A_361, %dma_start3A_374, %dma_start3A_375] : memref<2x2x200xi32, #tpu.memory_space<vmem>> -> memref<1x2x200xi32, #tpu.memory_space<vmem>>
    %dma_start3A_377 = tpu.memref_squeeze %dma_start3A_376 : memref<1x2x200xi32, #tpu.memory_space<vmem>> -> memref<2x200xi32, #tpu.memory_space<vmem>>
    %dma_start3A_378 = arith.constant 128 : i32
    %dma_start3A_379 = tpu.memref_slice %dma_start3A_377[%dma_start3A_362, %dma_start3A_378] : memref<2x200xi32, #tpu.memory_space<vmem>> -> memref<1x72xi32, #tpu.memory_space<vmem>>
    %dma_start3A_380 = tpu.memref_squeeze %dma_start3A_379 : memref<1x72xi32, #tpu.memory_space<vmem>> -> memref<72xi32, #tpu.memory_space<vmem>>
    %dma_start3A_381 = arith.constant 0 : i32
    %dma_start3A_382 = arith.constant 0 : i32
    %dma_start3A_383 = tpu.memref_slice %arg7[%dma_start3A_381, %dma_start3A_382] : memref<8192x64xf32, #tpu.memory_space<vmem_shared>> -> memref<8192x64xf32, #tpu.memory_space<vmem_shared>>
    tpu.enqueue_indirect_dma source(%dma_start3A_383 : memref<8192x64xf32, #tpu.memory_space<vmem_shared>>) target(%dma_start3A_373 : memref<72x64xf32, #tpu.memory_space<vmem>>) offsets(%dma_start3A_380 : memref<72xi32, #tpu.memory_space<vmem>>) semaphore(%arg11 : memref<!tpu.dma_semaphore, #tpu.memory_space<semaphore_mem>>)
    %dma_wait3A_384 = arith.constant 1 : i32
    %dma_wait3A_385 = arith.constant 0 : i32
    %dma_wait3A_386 = arith.constant 1 : i32
    %dma_wait3A_387 = arith.constant 0 : i32
    %dma_wait3A_388 = arith.constant 0 : i32
    %dma_wait3A_389 = arith.constant 0 : i32
    %dma_wait3A_390 = arith.constant 0 : i32
    %dma_wait3A_391 = tpu.memref_slice %arg6[%dma_wait3A_386, %dma_wait3A_388, %dma_wait3A_389, %dma_wait3A_390] : memref<2x2x200x64xf32, #tpu.memory_space<vmem>> -> memref<1x2x200x64xf32, #tpu.memory_space<vmem>>
    %dma_wait3A_392 = tpu.memref_squeeze %dma_wait3A_391 : memref<1x2x200x64xf32, #tpu.memory_space<vmem>> -> memref<2x200x64xf32, #tpu.memory_space<vmem>>
    %dma_wait3A_393 = arith.constant 0 : i32
    %dma_wait3A_394 = arith.constant 0 : i32
    %dma_wait3A_395 = tpu.memref_slice %dma_wait3A_392[%dma_wait3A_387, %dma_wait3A_393, %dma_wait3A_394] : memref<2x200x64xf32, #tpu.memory_space<vmem>> -> memref<1x128x64xf32, #tpu.memory_space<vmem>>
    %dma_wait3A_396 = tpu.memref_squeeze %dma_wait3A_395 : memref<1x128x64xf32, #tpu.memory_space<vmem>> -> memref<128x64xf32, #tpu.memory_space<vmem>>
    %dma_wait3A_397 = arith.constant 0 : i32
    %dma_wait3A_398 = arith.constant 0 : i32
    %dma_wait3A_399 = tpu.memref_slice %arg5[%dma_wait3A_384, %dma_wait3A_397, %dma_wait3A_398] : memref<2x2x200xi32, #tpu.memory_space<vmem>> -> memref<1x2x200xi32, #tpu.memory_space<vmem>>
    %dma_wait3A_400 = tpu.memref_squeeze %dma_wait3A_399 : memref<1x2x200xi32, #tpu.memory_space<vmem>> -> memref<2x200xi32, #tpu.memory_space<vmem>>
    %dma_wait3A_401 = arith.constant 0 : i32
    %dma_wait3A_402 = tpu.memref_slice %dma_wait3A_400[%dma_wait3A_385, %dma_wait3A_401] : memref<2x200xi32, #tpu.memory_space<vmem>> -> memref<1x128xi32, #tpu.memory_space<vmem>>
    %dma_wait3A_403 = tpu.memref_squeeze %dma_wait3A_402 : memref<1x128xi32, #tpu.memory_space<vmem>> -> memref<128xi32, #tpu.memory_space<vmem>>
    %dma_wait3A_404 = arith.constant 0 : i32
    %dma_wait3A_405 = arith.constant 0 : i32
    %dma_wait3A_406 = tpu.memref_slice %arg7[%dma_wait3A_404, %dma_wait3A_405] : memref<8192x64xf32, #tpu.memory_space<vmem_shared>> -> memref<8192x64xf32, #tpu.memory_space<vmem_shared>>
    tpu.wait_indirect_dma semaphore(%arg11 : memref<!tpu.dma_semaphore, #tpu.memory_space<semaphore_mem>>) src(%dma_wait3A_406 : memref<8192x64xf32, #tpu.memory_space<vmem_shared>>) dst(%dma_wait3A_396 : memref<128x64xf32, #tpu.memory_space<vmem>>)
    %dma_wait3A_407 = arith.constant 1 : i32
    %dma_wait3A_408 = arith.constant 0 : i32
    %dma_wait3A_409 = arith.constant 1 : i32
    %dma_wait3A_410 = arith.constant 0 : i32
    %dma_wait3A_411 = arith.constant 0 : i32
    %dma_wait3A_412 = arith.constant 0 : i32
    %dma_wait3A_413 = arith.constant 0 : i32
    %dma_wait3A_414 = tpu.memref_slice %arg6[%dma_wait3A_409, %dma_wait3A_411, %dma_wait3A_412, %dma_wait3A_413] : memref<2x2x200x64xf32, #tpu.memory_space<vmem>> -> memref<1x2x200x64xf32, #tpu.memory_space<vmem>>
    %dma_wait3A_415 = tpu.memref_squeeze %dma_wait3A_414 : memref<1x2x200x64xf32, #tpu.memory_space<vmem>> -> memref<2x200x64xf32, #tpu.memory_space<vmem>>
    %dma_wait3A_416 = arith.constant 128 : i32
    %dma_wait3A_417 = arith.constant 0 : i32
    %dma_wait3A_418 = tpu.memref_slice %dma_wait3A_415[%dma_wait3A_410, %dma_wait3A_416, %dma_wait3A_417] : memref<2x200x64xf32, #tpu.memory_space<vmem>> -> memref<1x72x64xf32, #tpu.memory_space<vmem>>
    %dma_wait3A_419 = tpu.memref_squeeze %dma_wait3A_418 : memref<1x72x64xf32, #tpu.memory_space<vmem>> -> memref<72x64xf32, #tpu.memory_space<vmem>>
    %dma_wait3A_420 = arith.constant 0 : i32
    %dma_wait3A_421 = arith.constant 0 : i32
    %dma_wait3A_422 = tpu.memref_slice %arg5[%dma_wait3A_407, %dma_wait3A_420, %dma_wait3A_421] : memref<2x2x200xi32, #tpu.memory_space<vmem>> -> memref<1x2x200xi32, #tpu.memory_space<vmem>>
    %dma_wait3A_423 = tpu.memref_squeeze %dma_wait3A_422 : memref<1x2x200xi32, #tpu.memory_space<vmem>> -> memref<2x200xi32, #tpu.memory_space<vmem>>
    %dma_wait3A_424 = arith.constant 128 : i32
    %dma_wait3A_425 = tpu.memref_slice %dma_wait3A_423[%dma_wait3A_408, %dma_wait3A_424] : memref<2x200xi32, #tpu.memory_space<vmem>> -> memref<1x72xi32, #tpu.memory_space<vmem>>
    %dma_wait3A_426 = tpu.memref_squeeze %dma_wait3A_425 : memref<1x72xi32, #tpu.memory_space<vmem>> -> memref<72xi32, #tpu.memory_space<vmem>>
    %dma_wait3A_427 = arith.constant 0 : i32
    %dma_wait3A_428 = arith.constant 0 : i32
    %dma_wait3A_429 = tpu.memref_slice %arg7[%dma_wait3A_427, %dma_wait3A_428] : memref<8192x64xf32, #tpu.memory_space<vmem_shared>> -> memref<8192x64xf32, #tpu.memory_space<vmem_shared>>
    tpu.wait_indirect_dma semaphore(%arg11 : memref<!tpu.dma_semaphore, #tpu.memory_space<semaphore_mem>>) src(%dma_wait3A_429 : memref<8192x64xf32, #tpu.memory_space<vmem_shared>>) dst(%dma_wait3A_419 : memref<72x64xf32, #tpu.memory_space<vmem>>)
    %dma_wait3A_430 = arith.constant 1 : i32
    %dma_wait3A_431 = arith.constant 1 : i32
    %dma_wait3A_432 = arith.constant 1 : i32
    %dma_wait3A_433 = arith.constant 1 : i32
    %dma_wait3A_434 = arith.constant 0 : i32
    %dma_wait3A_435 = arith.constant 0 : i32
    %dma_wait3A_436 = arith.constant 0 : i32
    %dma_wait3A_437 = tpu.memref_slice %arg6[%dma_wait3A_432, %dma_wait3A_434, %dma_wait3A_435, %dma_wait3A_436] : memref<2x2x200x64xf32, #tpu.memory_space<vmem>> -> memref<1x2x200x64xf32, #tpu.memory_space<vmem>>
    %dma_wait3A_438 = tpu.memref_squeeze %dma_wait3A_437 : memref<1x2x200x64xf32, #tpu.memory_space<vmem>> -> memref<2x200x64xf32, #tpu.memory_space<vmem>>
    %dma_wait3A_439 = arith.constant 0 : i32
    %dma_wait3A_440 = arith.constant 0 : i32
    %dma_wait3A_441 = tpu.memref_slice %dma_wait3A_438[%dma_wait3A_433, %dma_wait3A_439, %dma_wait3A_440] : memref<2x200x64xf32, #tpu.memory_space<vmem>> -> memref<1x128x64xf32, #tpu.memory_space<vmem>>
    %dma_wait3A_442 = tpu.memref_squeeze %dma_wait3A_441 : memref<1x128x64xf32, #tpu.memory_space<vmem>> -> memref<128x64xf32, #tpu.memory_space<vmem>>
    %dma_wait3A_443 = arith.constant 0 : i32
    %dma_wait3A_444 = arith.constant 0 : i32
    %dma_wait3A_445 = tpu.memref_slice %arg5[%dma_wait3A_430, %dma_wait3A_443, %dma_wait3A_444] : memref<2x2x200xi32, #tpu.memory_space<vmem>> -> memref<1x2x200xi32, #tpu.memory_space<vmem>>
    %dma_wait3A_446 = tpu.memref_squeeze %dma_wait3A_445 : memref<1x2x200xi32, #tpu.memory_space<vmem>> -> memref<2x200xi32, #tpu.memory_space<vmem>>
    %dma_wait3A_447 = arith.constant 0 : i32
    %dma_wait3A_448 = tpu.memref_slice %dma_wait3A_446[%dma_wait3A_431, %dma_wait3A_447] : memref<2x200xi32, #tpu.memory_space<vmem>> -> memref<1x128xi32, #tpu.memory_space<vmem>>
    %dma_wait3A_449 = tpu.memref_squeeze %dma_wait3A_448 : memref<1x128xi32, #tpu.memory_space<vmem>> -> memref<128xi32, #tpu.memory_space<vmem>>
    %dma_wait3A_450 = arith.constant 0 : i32
    %dma_wait3A_451 = arith.constant 0 : i32
    %dma_wait3A_452 = tpu.memref_slice %arg7[%dma_wait3A_450, %dma_wait3A_451] : memref<8192x64xf32, #tpu.memory_space<vmem_shared>> -> memref<8192x64xf32, #tpu.memory_space<vmem_shared>>
    tpu.wait_indirect_dma semaphore(%arg11 : memref<!tpu.dma_semaphore, #tpu.memory_space<semaphore_mem>>) src(%dma_wait3A_452 : memref<8192x64xf32, #tpu.memory_space<vmem_shared>>) dst(%dma_wait3A_442 : memref<128x64xf32, #tpu.memory_space<vmem>>)
    %dma_wait3A_453 = arith.constant 1 : i32
    %dma_wait3A_454 = arith.constant 1 : i32
    %dma_wait3A_455 = arith.constant 1 : i32
    %dma_wait3A_456 = arith.constant 1 : i32
    %dma_wait3A_457 = arith.constant 0 : i32
    %dma_wait3A_458 = arith.constant 0 : i32
    %dma_wait3A_459 = arith.constant 0 : i32
    %dma_wait3A_460 = tpu.memref_slice %arg6[%dma_wait3A_455, %dma_wait3A_457, %dma_wait3A_458, %dma_wait3A_459] : memref<2x2x200x64xf32, #tpu.memory_space<vmem>> -> memref<1x2x200x64xf32, #tpu.memory_space<vmem>>
    %dma_wait3A_461 = tpu.memref_squeeze %dma_wait3A_460 : memref<1x2x200x64xf32, #tpu.memory_space<vmem>> -> memref<2x200x64xf32, #tpu.memory_space<vmem>>
    %dma_wait3A_462 = arith.constant 128 : i32
    %dma_wait3A_463 = arith.constant 0 : i32
    %dma_wait3A_464 = tpu.memref_slice %dma_wait3A_461[%dma_wait3A_456, %dma_wait3A_462, %dma_wait3A_463] : memref<2x200x64xf32, #tpu.memory_space<vmem>> -> memref<1x72x64xf32, #tpu.memory_space<vmem>>
    %dma_wait3A_465 = tpu.memref_squeeze %dma_wait3A_464 : memref<1x72x64xf32, #tpu.memory_space<vmem>> -> memref<72x64xf32, #tpu.memory_space<vmem>>
    %dma_wait3A_466 = arith.constant 0 : i32
    %dma_wait3A_467 = arith.constant 0 : i32
    %dma_wait3A_468 = tpu.memref_slice %arg5[%dma_wait3A_453, %dma_wait3A_466, %dma_wait3A_467] : memref<2x2x200xi32, #tpu.memory_space<vmem>> -> memref<1x2x200xi32, #tpu.memory_space<vmem>>
    %dma_wait3A_469 = tpu.memref_squeeze %dma_wait3A_468 : memref<1x2x200xi32, #tpu.memory_space<vmem>> -> memref<2x200xi32, #tpu.memory_space<vmem>>
    %dma_wait3A_470 = arith.constant 128 : i32
    %dma_wait3A_471 = tpu.memref_slice %dma_wait3A_469[%dma_wait3A_454, %dma_wait3A_470] : memref<2x200xi32, #tpu.memory_space<vmem>> -> memref<1x72xi32, #tpu.memory_space<vmem>>
    %dma_wait3A_472 = tpu.memref_squeeze %dma_wait3A_471 : memref<1x72xi32, #tpu.memory_space<vmem>> -> memref<72xi32, #tpu.memory_space<vmem>>
    %dma_wait3A_473 = arith.constant 0 : i32
    %dma_wait3A_474 = arith.constant 0 : i32
    %dma_wait3A_475 = tpu.memref_slice %arg7[%dma_wait3A_473, %dma_wait3A_474] : memref<8192x64xf32, #tpu.memory_space<vmem_shared>> -> memref<8192x64xf32, #tpu.memory_space<vmem_shared>>
    tpu.wait_indirect_dma semaphore(%arg11 : memref<!tpu.dma_semaphore, #tpu.memory_space<semaphore_mem>>) src(%dma_wait3A_475 : memref<8192x64xf32, #tpu.memory_space<vmem_shared>>) dst(%dma_wait3A_465 : memref<72x64xf32, #tpu.memory_space<vmem>>)
    %min3A_476 = arith.constant 3 : i32
    %min3A_477 = arith.constant 255 : i32
    %min3A_478 = arith.minsi %min3A_476, %min3A_477 : i32
    %mul3A_479 = arith.constant 2 : i32
    %mul3A_480 = arith.muli %min3A_478, %mul3A_479 : i32
    %add3A_481 = arith.addi %mul3A_2, %mul3A_480 : i32
    %dma_start3A_482 = arith.constant 1 : i32
    %dma_start3A_483 = arith.constant 0 : i32
    %dma_start3A_484 = arith.constant 0 : i32
    %dma_start3A_485 = tpu.memref_slice %arg5[%dma_start3A_482, %dma_start3A_483, %dma_start3A_484] : memref<2x2x200xi32, #tpu.memory_space<vmem>> -> memref<1x2x200xi32, #tpu.memory_space<vmem>>
    %dma_start3A_486 = tpu.memref_squeeze %dma_start3A_485 : memref<1x2x200xi32, #tpu.memory_space<vmem>> -> memref<2x200xi32, #tpu.memory_space<vmem>>
    %dma_start3A_487 = arith.constant 0 : i32
    %dma_start3A_488 = tpu.memref_slice %arg2[%add3A_481, %dma_start3A_487] : memref<16384x200xi32, #tpu.memory_space<hbm>> -> memref<2x200xi32, #tpu.memory_space<hbm>>
    %dma_start3A_489 = arith.constant 0 : i32
    %dma_start3A_490 = arith.constant 0 : i32
    %dma_start3A_491 = tpu.memref_slice %arg5[%dma_start3A_482, %dma_start3A_489, %dma_start3A_490] : memref<2x2x200xi32, #tpu.memory_space<vmem>> -> memref<1x2x200xi32, #tpu.memory_space<vmem>>
    %dma_start3A_492 = tpu.memref_squeeze %dma_start3A_491 : memref<1x2x200xi32, #tpu.memory_space<vmem>> -> memref<2x200xi32, #tpu.memory_space<vmem>>
    %dma_start3A_493 = arith.constant 0 : i32
    %dma_start3A_494 = tpu.memref_slice %arg2[%add3A_481, %dma_start3A_493] : memref<16384x200xi32, #tpu.memory_space<hbm>> -> memref<2x200xi32, #tpu.memory_space<hbm>>
    tpu.enqueue_dma source(%dma_start3A_494 : memref<2x200xi32, #tpu.memory_space<hbm>>) target(%dma_start3A_492 : memref<2x200xi32, #tpu.memory_space<vmem>>) target_semaphore(%arg9 : memref<!tpu.dma_semaphore, #tpu.memory_space<semaphore_mem>>)
    %add3A_495 = arith.constant 2 : i32
    %add3A_496 = arith.addi %mul3A_2, %add3A_495 : i32
    %dma_start3A_497 = arith.constant 1 : i32
    %dma_start3A_498 = arith.constant 0 : i32
    %dma_start3A_499 = arith.constant 0 : i32
    %dma_start3A_500 = arith.constant 0 : i32
    %dma_start3A_501 = tpu.memref_slice %arg6[%dma_start3A_497, %dma_start3A_498, %dma_start3A_499, %dma_start3A_500] : memref<2x2x200x64xf32, #tpu.memory_space<vmem>> -> memref<1x2x200x64xf32, #tpu.memory_space<vmem>>
    %dma_start3A_502 = tpu.memref_squeeze %dma_start3A_501 : memref<1x2x200x64xf32, #tpu.memory_space<vmem>> -> memref<2x200x64xf32, #tpu.memory_space<vmem>>
    %dma_start3A_503 = arith.constant 0 : i32
    %dma_start3A_504 = arith.constant 0 : i32
    %dma_start3A_505 = tpu.memref_slice %arg4[%add3A_496, %dma_start3A_503, %dma_start3A_504] : memref<16384x200x64xf32, #tpu.memory_space<hbm>> -> memref<2x200x64xf32, #tpu.memory_space<hbm>>
    %dma_start3A_506 = arith.constant 0 : i32
    %dma_start3A_507 = arith.constant 0 : i32
    %dma_start3A_508 = tpu.memref_slice %arg4[%add3A_496, %dma_start3A_506, %dma_start3A_507] : memref<16384x200x64xf32, #tpu.memory_space<hbm>> -> memref<2x200x64xf32, #tpu.memory_space<hbm>>
    %dma_start3A_509 = arith.constant 0 : i32
    %dma_start3A_510 = arith.constant 0 : i32
    %dma_start3A_511 = arith.constant 0 : i32
    %dma_start3A_512 = tpu.memref_slice %arg6[%dma_start3A_497, %dma_start3A_509, %dma_start3A_510, %dma_start3A_511] : memref<2x2x200x64xf32, #tpu.memory_space<vmem>> -> memref<1x2x200x64xf32, #tpu.memory_space<vmem>>
    %dma_start3A_513 = tpu.memref_squeeze %dma_start3A_512 : memref<1x2x200x64xf32, #tpu.memory_space<vmem>> -> memref<2x200x64xf32, #tpu.memory_space<vmem>>
    tpu.enqueue_dma source(%dma_start3A_513 : memref<2x200x64xf32, #tpu.memory_space<vmem>>) target(%dma_start3A_508 : memref<2x200x64xf32, #tpu.memory_space<hbm>>) target_semaphore(%arg13 : memref<!tpu.dma_semaphore, #tpu.memory_space<semaphore_mem>>)
    %scan3A = arith.constant 0 : i32
    %scan3A_514 = arith.constant 1 : i32
    %scan3A_515 = arith.constant 127 : i32
    %scan3A_516 = arith.addi %scan3A_514, %scan3A_515 : i32
    %scan3A_517 = arith.constant 1 : i32
    scf.for %scan3A_587 = %scan3A_514 to %scan3A_516 step %scan3A_517  : i32 {
      %mul3A_588 = arith.constant 2 : i32
      %mul3A_589 = arith.muli %scan3A_587, %mul3A_588 : i32
      %add3A_590 = arith.constant 0 : i32
      %add3A_591 = arith.addi %mul3A_589, %add3A_590 : i32
      %dma_wait3A_592 = arith.constant 0 : i32
      %dma_wait3A_593 = arith.constant 0 : i32
      %dma_wait3A_594 = arith.constant 0 : i32
      %dma_wait3A_595 = arith.constant 0 : i32
      %dma_wait3A_596 = tpu.memref_slice %arg6[%dma_wait3A_592, %dma_wait3A_593, %dma_wait3A_594, %dma_wait3A_595] : memref<2x2x200x64xf32, #tpu.memory_space<vmem>> -> memref<1x2x200x64xf32, #tpu.memory_space<vmem>>
      %dma_wait3A_597 = tpu.memref_squeeze %dma_wait3A_596 : memref<1x2x200x64xf32, #tpu.memory_space<vmem>> -> memref<2x200x64xf32, #tpu.memory_space<vmem>>
      %dma_wait3A_598 = arith.constant 0 : i32
      %dma_wait3A_599 = arith.constant 0 : i32
      %dma_wait3A_600 = arith.constant 0 : i32
      %dma_wait3A_601 = tpu.memref_slice %arg4[%dma_wait3A_598, %dma_wait3A_599, %dma_wait3A_600] : memref<16384x200x64xf32, #tpu.memory_space<hbm>> -> memref<2x200x64xf32, #tpu.memory_space<hbm>>
      %dma_wait3A_602 = arith.constant 0 : i32
      %dma_wait3A_603 = arith.constant 0 : i32
      %dma_wait3A_604 = arith.constant 0 : i32
      %dma_wait3A_605 = tpu.memref_slice %arg4[%dma_wait3A_602, %dma_wait3A_603, %dma_wait3A_604] : memref<16384x200x64xf32, #tpu.memory_space<hbm>> -> memref<2x200x64xf32, #tpu.memory_space<hbm>>
      %dma_wait3A_606 = arith.constant 0 : i32
      %dma_wait3A_607 = arith.constant 0 : i32
      %dma_wait3A_608 = arith.constant 0 : i32
      %dma_wait3A_609 = tpu.memref_slice %arg6[%dma_wait3A_592, %dma_wait3A_606, %dma_wait3A_607, %dma_wait3A_608] : memref<2x2x200x64xf32, #tpu.memory_space<vmem>> -> memref<1x2x200x64xf32, #tpu.memory_space<vmem>>
      %dma_wait3A_610 = tpu.memref_squeeze %dma_wait3A_609 : memref<1x2x200x64xf32, #tpu.memory_space<vmem>> -> memref<2x200x64xf32, #tpu.memory_space<vmem>>
      tpu.wait_dma2 semaphore(%arg12 : memref<!tpu.dma_semaphore, #tpu.memory_space<semaphore_mem>>) src(%dma_wait3A_610 : memref<2x200x64xf32, #tpu.memory_space<vmem>>) dst(%dma_wait3A_605 : memref<2x200x64xf32, #tpu.memory_space<hbm>>)
      %dma_wait3A_611 = arith.constant 0 : i32
      %dma_wait3A_612 = arith.constant 0 : i32
      %dma_wait3A_613 = arith.constant 0 : i32
      %dma_wait3A_614 = tpu.memref_slice %arg5[%dma_wait3A_611, %dma_wait3A_612, %dma_wait3A_613] : memref<2x2x200xi32, #tpu.memory_space<vmem>> -> memref<1x2x200xi32, #tpu.memory_space<vmem>>
      %dma_wait3A_615 = tpu.memref_squeeze %dma_wait3A_614 : memref<1x2x200xi32, #tpu.memory_space<vmem>> -> memref<2x200xi32, #tpu.memory_space<vmem>>
      %dma_wait3A_616 = arith.constant 0 : i32
      %dma_wait3A_617 = arith.constant 0 : i32
      %dma_wait3A_618 = tpu.memref_slice %arg2[%dma_wait3A_616, %dma_wait3A_617] : memref<16384x200xi32, #tpu.memory_space<hbm>> -> memref<2x200xi32, #tpu.memory_space<hbm>>
      %dma_wait3A_619 = arith.constant 0 : i32
      %dma_wait3A_620 = arith.constant 0 : i32
      %dma_wait3A_621 = tpu.memref_slice %arg5[%dma_wait3A_611, %dma_wait3A_619, %dma_wait3A_620] : memref<2x2x200xi32, #tpu.memory_space<vmem>> -> memref<1x2x200xi32, #tpu.memory_space<vmem>>
      %dma_wait3A_622 = tpu.memref_squeeze %dma_wait3A_621 : memref<1x2x200xi32, #tpu.memory_space<vmem>> -> memref<2x200xi32, #tpu.memory_space<vmem>>
      %dma_wait3A_623 = arith.constant 0 : i32
      %dma_wait3A_624 = arith.constant 0 : i32
      %dma_wait3A_625 = tpu.memref_slice %arg2[%dma_wait3A_623, %dma_wait3A_624] : memref<16384x200xi32, #tpu.memory_space<hbm>> -> memref<2x200xi32, #tpu.memory_space<hbm>>
      tpu.wait_dma2 semaphore(%arg8 : memref<!tpu.dma_semaphore, #tpu.memory_space<semaphore_mem>>) src(%dma_wait3A_625 : memref<2x200xi32, #tpu.memory_space<hbm>>) dst(%dma_wait3A_622 : memref<2x200xi32, #tpu.memory_space<vmem>>)
      %dma_start3A_626 = arith.constant 0 : i32
      %dma_start3A_627 = arith.constant 0 : i32
      %dma_start3A_628 = arith.constant 0 : i32
      %dma_start3A_629 = arith.constant 0 : i32
      %dma_start3A_630 = arith.constant 0 : i32
      %dma_start3A_631 = arith.constant 0 : i32
      %dma_start3A_632 = arith.constant 0 : i32
      %dma_start3A_633 = tpu.memref_slice %arg6[%dma_start3A_628, %dma_start3A_630, %dma_start3A_631, %dma_start3A_632] : memref<2x2x200x64xf32, #tpu.memory_space<vmem>> -> memref<1x2x200x64xf32, #tpu.memory_space<vmem>>
      %dma_start3A_634 = tpu.memref_squeeze %dma_start3A_633 : memref<1x2x200x64xf32, #tpu.memory_space<vmem>> -> memref<2x200x64xf32, #tpu.memory_space<vmem>>
      %dma_start3A_635 = arith.constant 0 : i32
      %dma_start3A_636 = arith.constant 0 : i32
      %dma_start3A_637 = tpu.memref_slice %dma_start3A_634[%dma_start3A_629, %dma_start3A_635, %dma_start3A_636] : memref<2x200x64xf32, #tpu.memory_space<vmem>> -> memref<1x128x64xf32, #tpu.memory_space<vmem>>
      %dma_start3A_638 = tpu.memref_squeeze %dma_start3A_637 : memref<1x128x64xf32, #tpu.memory_space<vmem>> -> memref<128x64xf32, #tpu.memory_space<vmem>>
      %dma_start3A_639 = arith.constant 0 : i32
      %dma_start3A_640 = arith.constant 0 : i32
      %dma_start3A_641 = tpu.memref_slice %arg5[%dma_start3A_626, %dma_start3A_639, %dma_start3A_640] : memref<2x2x200xi32, #tpu.memory_space<vmem>> -> memref<1x2x200xi32, #tpu.memory_space<vmem>>
      %dma_start3A_642 = tpu.memref_squeeze %dma_start3A_641 : memref<1x2x200xi32, #tpu.memory_space<vmem>> -> memref<2x200xi32, #tpu.memory_space<vmem>>
      %dma_start3A_643 = arith.constant 0 : i32
      %dma_start3A_644 = tpu.memref_slice %dma_start3A_642[%dma_start3A_627, %dma_start3A_643] : memref<2x200xi32, #tpu.memory_space<vmem>> -> memref<1x128xi32, #tpu.memory_space<vmem>>
      %dma_start3A_645 = tpu.memref_squeeze %dma_start3A_644 : memref<1x128xi32, #tpu.memory_space<vmem>> -> memref<128xi32, #tpu.memory_space<vmem>>
      %dma_start3A_646 = arith.constant 0 : i32
      %dma_start3A_647 = arith.constant 0 : i32
      %dma_start3A_648 = tpu.memref_slice %arg7[%dma_start3A_646, %dma_start3A_647] : memref<8192x64xf32, #tpu.memory_space<vmem_shared>> -> memref<8192x64xf32, #tpu.memory_space<vmem_shared>>
      tpu.enqueue_indirect_dma source(%dma_start3A_648 : memref<8192x64xf32, #tpu.memory_space<vmem_shared>>) target(%dma_start3A_638 : memref<128x64xf32, #tpu.memory_space<vmem>>) offsets(%dma_start3A_645 : memref<128xi32, #tpu.memory_space<vmem>>) semaphore(%arg10 : memref<!tpu.dma_semaphore, #tpu.memory_space<semaphore_mem>>)
      %dma_start3A_649 = arith.constant 0 : i32
      %dma_start3A_650 = arith.constant 0 : i32
      %dma_start3A_651 = arith.constant 0 : i32
      %dma_start3A_652 = arith.constant 0 : i32
      %dma_start3A_653 = arith.constant 0 : i32
      %dma_start3A_654 = arith.constant 0 : i32
      %dma_start3A_655 = arith.constant 0 : i32
      %dma_start3A_656 = tpu.memref_slice %arg6[%dma_start3A_651, %dma_start3A_653, %dma_start3A_654, %dma_start3A_655] : memref<2x2x200x64xf32, #tpu.memory_space<vmem>> -> memref<1x2x200x64xf32, #tpu.memory_space<vmem>>
      %dma_start3A_657 = tpu.memref_squeeze %dma_start3A_656 : memref<1x2x200x64xf32, #tpu.memory_space<vmem>> -> memref<2x200x64xf32, #tpu.memory_space<vmem>>
      %dma_start3A_658 = arith.constant 128 : i32
      %dma_start3A_659 = arith.constant 0 : i32
      %dma_start3A_660 = tpu.memref_slice %dma_start3A_657[%dma_start3A_652, %dma_start3A_658, %dma_start3A_659] : memref<2x200x64xf32, #tpu.memory_space<vmem>> -> memref<1x72x64xf32, #tpu.memory_space<vmem>>
      %dma_start3A_661 = tpu.memref_squeeze %dma_start3A_660 : memref<1x72x64xf32, #tpu.memory_space<vmem>> -> memref<72x64xf32, #tpu.memory_space<vmem>>
      %dma_start3A_662 = arith.constant 0 : i32
      %dma_start3A_663 = arith.constant 0 : i32
      %dma_start3A_664 = tpu.memref_slice %arg5[%dma_start3A_649, %dma_start3A_662, %dma_start3A_663] : memref<2x2x200xi32, #tpu.memory_space<vmem>> -> memref<1x2x200xi32, #tpu.memory_space<vmem>>
      %dma_start3A_665 = tpu.memref_squeeze %dma_start3A_664 : memref<1x2x200xi32, #tpu.memory_space<vmem>> -> memref<2x200xi32, #tpu.memory_space<vmem>>
      %dma_start3A_666 = arith.constant 128 : i32
      %dma_start3A_667 = tpu.memref_slice %dma_start3A_665[%dma_start3A_650, %dma_start3A_666] : memref<2x200xi32, #tpu.memory_space<vmem>> -> memref<1x72xi32, #tpu.memory_space<vmem>>
      %dma_start3A_668 = tpu.memref_squeeze %dma_start3A_667 : memref<1x72xi32, #tpu.memory_space<vmem>> -> memref<72xi32, #tpu.memory_space<vmem>>
      %dma_start3A_669 = arith.constant 0 : i32
      %dma_start3A_670 = arith.constant 0 : i32
      %dma_start3A_671 = tpu.memref_slice %arg7[%dma_start3A_669, %dma_start3A_670] : memref<8192x64xf32, #tpu.memory_space<vmem_shared>> -> memref<8192x64xf32, #tpu.memory_space<vmem_shared>>
      tpu.enqueue_indirect_dma source(%dma_start3A_671 : memref<8192x64xf32, #tpu.memory_space<vmem_shared>>) target(%dma_start3A_661 : memref<72x64xf32, #tpu.memory_space<vmem>>) offsets(%dma_start3A_668 : memref<72xi32, #tpu.memory_space<vmem>>) semaphore(%arg10 : memref<!tpu.dma_semaphore, #tpu.memory_space<semaphore_mem>>)
      %dma_start3A_672 = arith.constant 0 : i32
      %dma_start3A_673 = arith.constant 1 : i32
      %dma_start3A_674 = arith.constant 0 : i32
      %dma_start3A_675 = arith.constant 1 : i32
      %dma_start3A_676 = arith.constant 0 : i32
      %dma_start3A_677 = arith.constant 0 : i32
      %dma_start3A_678 = arith.constant 0 : i32
      %dma_start3A_679 = tpu.memref_slice %arg6[%dma_start3A_674, %dma_start3A_676, %dma_start3A_677, %dma_start3A_678] : memref<2x2x200x64xf32, #tpu.memory_space<vmem>> -> memref<1x2x200x64xf32, #tpu.memory_space<vmem>>
      %dma_start3A_680 = tpu.memref_squeeze %dma_start3A_679 : memref<1x2x200x64xf32, #tpu.memory_space<vmem>> -> memref<2x200x64xf32, #tpu.memory_space<vmem>>
      %dma_start3A_681 = arith.constant 0 : i32
      %dma_start3A_682 = arith.constant 0 : i32
      %dma_start3A_683 = tpu.memref_slice %dma_start3A_680[%dma_start3A_675, %dma_start3A_681, %dma_start3A_682] : memref<2x200x64xf32, #tpu.memory_space<vmem>> -> memref<1x128x64xf32, #tpu.memory_space<vmem>>
      %dma_start3A_684 = tpu.memref_squeeze %dma_start3A_683 : memref<1x128x64xf32, #tpu.memory_space<vmem>> -> memref<128x64xf32, #tpu.memory_space<vmem>>
      %dma_start3A_685 = arith.constant 0 : i32
      %dma_start3A_686 = arith.constant 0 : i32
      %dma_start3A_687 = tpu.memref_slice %arg5[%dma_start3A_672, %dma_start3A_685, %dma_start3A_686] : memref<2x2x200xi32, #tpu.memory_space<vmem>> -> memref<1x2x200xi32, #tpu.memory_space<vmem>>
      %dma_start3A_688 = tpu.memref_squeeze %dma_start3A_687 : memref<1x2x200xi32, #tpu.memory_space<vmem>> -> memref<2x200xi32, #tpu.memory_space<vmem>>
      %dma_start3A_689 = arith.constant 0 : i32
      %dma_start3A_690 = tpu.memref_slice %dma_start3A_688[%dma_start3A_673, %dma_start3A_689] : memref<2x200xi32, #tpu.memory_space<vmem>> -> memref<1x128xi32, #tpu.memory_space<vmem>>
      %dma_start3A_691 = tpu.memref_squeeze %dma_start3A_690 : memref<1x128xi32, #tpu.memory_space<vmem>> -> memref<128xi32, #tpu.memory_space<vmem>>
      %dma_start3A_692 = arith.constant 0 : i32
      %dma_start3A_693 = arith.constant 0 : i32
      %dma_start3A_694 = tpu.memref_slice %arg7[%dma_start3A_692, %dma_start3A_693] : memref<8192x64xf32, #tpu.memory_space<vmem_shared>> -> memref<8192x64xf32, #tpu.memory_space<vmem_shared>>
      tpu.enqueue_indirect_dma source(%dma_start3A_694 : memref<8192x64xf32, #tpu.memory_space<vmem_shared>>) target(%dma_start3A_684 : memref<128x64xf32, #tpu.memory_space<vmem>>) offsets(%dma_start3A_691 : memref<128xi32, #tpu.memory_space<vmem>>) semaphore(%arg10 : memref<!tpu.dma_semaphore, #tpu.memory_space<semaphore_mem>>)
      %dma_start3A_695 = arith.constant 0 : i32
      %dma_start3A_696 = arith.constant 1 : i32
      %dma_start3A_697 = arith.constant 0 : i32
      %dma_start3A_698 = arith.constant 1 : i32
      %dma_start3A_699 = arith.constant 0 : i32
      %dma_start3A_700 = arith.constant 0 : i32
      %dma_start3A_701 = arith.constant 0 : i32
      %dma_start3A_702 = tpu.memref_slice %arg6[%dma_start3A_697, %dma_start3A_699, %dma_start3A_700, %dma_start3A_701] : memref<2x2x200x64xf32, #tpu.memory_space<vmem>> -> memref<1x2x200x64xf32, #tpu.memory_space<vmem>>
      %dma_start3A_703 = tpu.memref_squeeze %dma_start3A_702 : memref<1x2x200x64xf32, #tpu.memory_space<vmem>> -> memref<2x200x64xf32, #tpu.memory_space<vmem>>
      %dma_start3A_704 = arith.constant 128 : i32
      %dma_start3A_705 = arith.constant 0 : i32
      %dma_start3A_706 = tpu.memref_slice %dma_start3A_703[%dma_start3A_698, %dma_start3A_704, %dma_start3A_705] : memref<2x200x64xf32, #tpu.memory_space<vmem>> -> memref<1x72x64xf32, #tpu.memory_space<vmem>>
      %dma_start3A_707 = tpu.memref_squeeze %dma_start3A_706 : memref<1x72x64xf32, #tpu.memory_space<vmem>> -> memref<72x64xf32, #tpu.memory_space<vmem>>
      %dma_start3A_708 = arith.constant 0 : i32
      %dma_start3A_709 = arith.constant 0 : i32
      %dma_start3A_710 = tpu.memref_slice %arg5[%dma_start3A_695, %dma_start3A_708, %dma_start3A_709] : memref<2x2x200xi32, #tpu.memory_space<vmem>> -> memref<1x2x200xi32, #tpu.memory_space<vmem>>
      %dma_start3A_711 = tpu.memref_squeeze %dma_start3A_710 : memref<1x2x200xi32, #tpu.memory_space<vmem>> -> memref<2x200xi32, #tpu.memory_space<vmem>>
      %dma_start3A_712 = arith.constant 128 : i32
      %dma_start3A_713 = tpu.memref_slice %dma_start3A_711[%dma_start3A_696, %dma_start3A_712] : memref<2x200xi32, #tpu.memory_space<vmem>> -> memref<1x72xi32, #tpu.memory_space<vmem>>
      %dma_start3A_714 = tpu.memref_squeeze %dma_start3A_713 : memref<1x72xi32, #tpu.memory_space<vmem>> -> memref<72xi32, #tpu.memory_space<vmem>>
      %dma_start3A_715 = arith.constant 0 : i32
      %dma_start3A_716 = arith.constant 0 : i32
      %dma_start3A_717 = tpu.memref_slice %arg7[%dma_start3A_715, %dma_start3A_716] : memref<8192x64xf32, #tpu.memory_space<vmem_shared>> -> memref<8192x64xf32, #tpu.memory_space<vmem_shared>>
      tpu.enqueue_indirect_dma source(%dma_start3A_717 : memref<8192x64xf32, #tpu.memory_space<vmem_shared>>) target(%dma_start3A_707 : memref<72x64xf32, #tpu.memory_space<vmem>>) offsets(%dma_start3A_714 : memref<72xi32, #tpu.memory_space<vmem>>) semaphore(%arg10 : memref<!tpu.dma_semaphore, #tpu.memory_space<semaphore_mem>>)
      %dma_wait3A_718 = arith.constant 0 : i32
      %dma_wait3A_719 = arith.constant 0 : i32
      %dma_wait3A_720 = arith.constant 0 : i32
      %dma_wait3A_721 = arith.constant 0 : i32
      %dma_wait3A_722 = arith.constant 0 : i32
      %dma_wait3A_723 = arith.constant 0 : i32
      %dma_wait3A_724 = arith.constant 0 : i32
      %dma_wait3A_725 = tpu.memref_slice %arg6[%dma_wait3A_720, %dma_wait3A_722, %dma_wait3A_723, %dma_wait3A_724] : memref<2x2x200x64xf32, #tpu.memory_space<vmem>> -> memref<1x2x200x64xf32, #tpu.memory_space<vmem>>
      %dma_wait3A_726 = tpu.memref_squeeze %dma_wait3A_725 : memref<1x2x200x64xf32, #tpu.memory_space<vmem>> -> memref<2x200x64xf32, #tpu.memory_space<vmem>>
      %dma_wait3A_727 = arith.constant 0 : i32
      %dma_wait3A_728 = arith.constant 0 : i32
      %dma_wait3A_729 = tpu.memref_slice %dma_wait3A_726[%dma_wait3A_721, %dma_wait3A_727, %dma_wait3A_728] : memref<2x200x64xf32, #tpu.memory_space<vmem>> -> memref<1x128x64xf32, #tpu.memory_space<vmem>>
      %dma_wait3A_730 = tpu.memref_squeeze %dma_wait3A_729 : memref<1x128x64xf32, #tpu.memory_space<vmem>> -> memref<128x64xf32, #tpu.memory_space<vmem>>
      %dma_wait3A_731 = arith.constant 0 : i32
      %dma_wait3A_732 = arith.constant 0 : i32
      %dma_wait3A_733 = tpu.memref_slice %arg5[%dma_wait3A_718, %dma_wait3A_731, %dma_wait3A_732] : memref<2x2x200xi32, #tpu.memory_space<vmem>> -> memref<1x2x200xi32, #tpu.memory_space<vmem>>
      %dma_wait3A_734 = tpu.memref_squeeze %dma_wait3A_733 : memref<1x2x200xi32, #tpu.memory_space<vmem>> -> memref<2x200xi32, #tpu.memory_space<vmem>>
      %dma_wait3A_735 = arith.constant 0 : i32
      %dma_wait3A_736 = tpu.memref_slice %dma_wait3A_734[%dma_wait3A_719, %dma_wait3A_735] : memref<2x200xi32, #tpu.memory_space<vmem>> -> memref<1x128xi32, #tpu.memory_space<vmem>>
      %dma_wait3A_737 = tpu.memref_squeeze %dma_wait3A_736 : memref<1x128xi32, #tpu.memory_space<vmem>> -> memref<128xi32, #tpu.memory_space<vmem>>
      %dma_wait3A_738 = arith.constant 0 : i32
      %dma_wait3A_739 = arith.constant 0 : i32
      %dma_wait3A_740 = tpu.memref_slice %arg7[%dma_wait3A_738, %dma_wait3A_739] : memref<8192x64xf32, #tpu.memory_space<vmem_shared>> -> memref<8192x64xf32, #tpu.memory_space<vmem_shared>>
      tpu.wait_indirect_dma semaphore(%arg10 : memref<!tpu.dma_semaphore, #tpu.memory_space<semaphore_mem>>) src(%dma_wait3A_740 : memref<8192x64xf32, #tpu.memory_space<vmem_shared>>) dst(%dma_wait3A_730 : memref<128x64xf32, #tpu.memory_space<vmem>>)
      %dma_wait3A_741 = arith.constant 0 : i32
      %dma_wait3A_742 = arith.constant 0 : i32
      %dma_wait3A_743 = arith.constant 0 : i32
      %dma_wait3A_744 = arith.constant 0 : i32
      %dma_wait3A_745 = arith.constant 0 : i32
      %dma_wait3A_746 = arith.constant 0 : i32
      %dma_wait3A_747 = arith.constant 0 : i32
      %dma_wait3A_748 = tpu.memref_slice %arg6[%dma_wait3A_743, %dma_wait3A_745, %dma_wait3A_746, %dma_wait3A_747] : memref<2x2x200x64xf32, #tpu.memory_space<vmem>> -> memref<1x2x200x64xf32, #tpu.memory_space<vmem>>
      %dma_wait3A_749 = tpu.memref_squeeze %dma_wait3A_748 : memref<1x2x200x64xf32, #tpu.memory_space<vmem>> -> memref<2x200x64xf32, #tpu.memory_space<vmem>>
      %dma_wait3A_750 = arith.constant 128 : i32
      %dma_wait3A_751 = arith.constant 0 : i32
      %dma_wait3A_752 = tpu.memref_slice %dma_wait3A_749[%dma_wait3A_744, %dma_wait3A_750, %dma_wait3A_751] : memref<2x200x64xf32, #tpu.memory_space<vmem>> -> memref<1x72x64xf32, #tpu.memory_space<vmem>>
      %dma_wait3A_753 = tpu.memref_squeeze %dma_wait3A_752 : memref<1x72x64xf32, #tpu.memory_space<vmem>> -> memref<72x64xf32, #tpu.memory_space<vmem>>
      %dma_wait3A_754 = arith.constant 0 : i32
      %dma_wait3A_755 = arith.constant 0 : i32
      %dma_wait3A_756 = tpu.memref_slice %arg5[%dma_wait3A_741, %dma_wait3A_754, %dma_wait3A_755] : memref<2x2x200xi32, #tpu.memory_space<vmem>> -> memref<1x2x200xi32, #tpu.memory_space<vmem>>
      %dma_wait3A_757 = tpu.memref_squeeze %dma_wait3A_756 : memref<1x2x200xi32, #tpu.memory_space<vmem>> -> memref<2x200xi32, #tpu.memory_space<vmem>>
      %dma_wait3A_758 = arith.constant 128 : i32
      %dma_wait3A_759 = tpu.memref_slice %dma_wait3A_757[%dma_wait3A_742, %dma_wait3A_758] : memref<2x200xi32, #tpu.memory_space<vmem>> -> memref<1x72xi32, #tpu.memory_space<vmem>>
      %dma_wait3A_760 = tpu.memref_squeeze %dma_wait3A_759 : memref<1x72xi32, #tpu.memory_space<vmem>> -> memref<72xi32, #tpu.memory_space<vmem>>
      %dma_wait3A_761 = arith.constant 0 : i32
      %dma_wait3A_762 = arith.constant 0 : i32
      %dma_wait3A_763 = tpu.memref_slice %arg7[%dma_wait3A_761, %dma_wait3A_762] : memref<8192x64xf32, #tpu.memory_space<vmem_shared>> -> memref<8192x64xf32, #tpu.memory_space<vmem_shared>>
      tpu.wait_indirect_dma semaphore(%arg10 : memref<!tpu.dma_semaphore, #tpu.memory_space<semaphore_mem>>) src(%dma_wait3A_763 : memref<8192x64xf32, #tpu.memory_space<vmem_shared>>) dst(%dma_wait3A_753 : memref<72x64xf32, #tpu.memory_space<vmem>>)
      %dma_wait3A_764 = arith.constant 0 : i32
      %dma_wait3A_765 = arith.constant 1 : i32
      %dma_wait3A_766 = arith.constant 0 : i32
      %dma_wait3A_767 = arith.constant 1 : i32
      %dma_wait3A_768 = arith.constant 0 : i32
      %dma_wait3A_769 = arith.constant 0 : i32
      %dma_wait3A_770 = arith.constant 0 : i32
      %dma_wait3A_771 = tpu.memref_slice %arg6[%dma_wait3A_766, %dma_wait3A_768, %dma_wait3A_769, %dma_wait3A_770] : memref<2x2x200x64xf32, #tpu.memory_space<vmem>> -> memref<1x2x200x64xf32, #tpu.memory_space<vmem>>
      %dma_wait3A_772 = tpu.memref_squeeze %dma_wait3A_771 : memref<1x2x200x64xf32, #tpu.memory_space<vmem>> -> memref<2x200x64xf32, #tpu.memory_space<vmem>>
      %dma_wait3A_773 = arith.constant 0 : i32
      %dma_wait3A_774 = arith.constant 0 : i32
      %dma_wait3A_775 = tpu.memref_slice %dma_wait3A_772[%dma_wait3A_767, %dma_wait3A_773, %dma_wait3A_774] : memref<2x200x64xf32, #tpu.memory_space<vmem>> -> memref<1x128x64xf32, #tpu.memory_space<vmem>>
      %dma_wait3A_776 = tpu.memref_squeeze %dma_wait3A_775 : memref<1x128x64xf32, #tpu.memory_space<vmem>> -> memref<128x64xf32, #tpu.memory_space<vmem>>
      %dma_wait3A_777 = arith.constant 0 : i32
      %dma_wait3A_778 = arith.constant 0 : i32
      %dma_wait3A_779 = tpu.memref_slice %arg5[%dma_wait3A_764, %dma_wait3A_777, %dma_wait3A_778] : memref<2x2x200xi32, #tpu.memory_space<vmem>> -> memref<1x2x200xi32, #tpu.memory_space<vmem>>
      %dma_wait3A_780 = tpu.memref_squeeze %dma_wait3A_779 : memref<1x2x200xi32, #tpu.memory_space<vmem>> -> memref<2x200xi32, #tpu.memory_space<vmem>>
      %dma_wait3A_781 = arith.constant 0 : i32
      %dma_wait3A_782 = tpu.memref_slice %dma_wait3A_780[%dma_wait3A_765, %dma_wait3A_781] : memref<2x200xi32, #tpu.memory_space<vmem>> -> memref<1x128xi32, #tpu.memory_space<vmem>>
      %dma_wait3A_783 = tpu.memref_squeeze %dma_wait3A_782 : memref<1x128xi32, #tpu.memory_space<vmem>> -> memref<128xi32, #tpu.memory_space<vmem>>
      %dma_wait3A_784 = arith.constant 0 : i32
      %dma_wait3A_785 = arith.constant 0 : i32
      %dma_wait3A_786 = tpu.memref_slice %arg7[%dma_wait3A_784, %dma_wait3A_785] : memref<8192x64xf32, #tpu.memory_space<vmem_shared>> -> memref<8192x64xf32, #tpu.memory_space<vmem_shared>>
      tpu.wait_indirect_dma semaphore(%arg10 : memref<!tpu.dma_semaphore, #tpu.memory_space<semaphore_mem>>) src(%dma_wait3A_786 : memref<8192x64xf32, #tpu.memory_space<vmem_shared>>) dst(%dma_wait3A_776 : memref<128x64xf32, #tpu.memory_space<vmem>>)
      %dma_wait3A_787 = arith.constant 0 : i32
      %dma_wait3A_788 = arith.constant 1 : i32
      %dma_wait3A_789 = arith.constant 0 : i32
      %dma_wait3A_790 = arith.constant 1 : i32
      %dma_wait3A_791 = arith.constant 0 : i32
      %dma_wait3A_792 = arith.constant 0 : i32
      %dma_wait3A_793 = arith.constant 0 : i32
      %dma_wait3A_794 = tpu.memref_slice %arg6[%dma_wait3A_789, %dma_wait3A_791, %dma_wait3A_792, %dma_wait3A_793] : memref<2x2x200x64xf32, #tpu.memory_space<vmem>> -> memref<1x2x200x64xf32, #tpu.memory_space<vmem>>
      %dma_wait3A_795 = tpu.memref_squeeze %dma_wait3A_794 : memref<1x2x200x64xf32, #tpu.memory_space<vmem>> -> memref<2x200x64xf32, #tpu.memory_space<vmem>>
      %dma_wait3A_796 = arith.constant 128 : i32
      %dma_wait3A_797 = arith.constant 0 : i32
      %dma_wait3A_798 = tpu.memref_slice %dma_wait3A_795[%dma_wait3A_790, %dma_wait3A_796, %dma_wait3A_797] : memref<2x200x64xf32, #tpu.memory_space<vmem>> -> memref<1x72x64xf32, #tpu.memory_space<vmem>>
      %dma_wait3A_799 = tpu.memref_squeeze %dma_wait3A_798 : memref<1x72x64xf32, #tpu.memory_space<vmem>> -> memref<72x64xf32, #tpu.memory_space<vmem>>
      %dma_wait3A_800 = arith.constant 0 : i32
      %dma_wait3A_801 = arith.constant 0 : i32
      %dma_wait3A_802 = tpu.memref_slice %arg5[%dma_wait3A_787, %dma_wait3A_800, %dma_wait3A_801] : memref<2x2x200xi32, #tpu.memory_space<vmem>> -> memref<1x2x200xi32, #tpu.memory_space<vmem>>
      %dma_wait3A_803 = tpu.memref_squeeze %dma_wait3A_802 : memref<1x2x200xi32, #tpu.memory_space<vmem>> -> memref<2x200xi32, #tpu.memory_space<vmem>>
      %dma_wait3A_804 = arith.constant 128 : i32
      %dma_wait3A_805 = tpu.memref_slice %dma_wait3A_803[%dma_wait3A_788, %dma_wait3A_804] : memref<2x200xi32, #tpu.memory_space<vmem>> -> memref<1x72xi32, #tpu.memory_space<vmem>>
      %dma_wait3A_806 = tpu.memref_squeeze %dma_wait3A_805 : memref<1x72xi32, #tpu.memory_space<vmem>> -> memref<72xi32, #tpu.memory_space<vmem>>
      %dma_wait3A_807 = arith.constant 0 : i32
      %dma_wait3A_808 = arith.constant 0 : i32
      %dma_wait3A_809 = tpu.memref_slice %arg7[%dma_wait3A_807, %dma_wait3A_808] : memref<8192x64xf32, #tpu.memory_space<vmem_shared>> -> memref<8192x64xf32, #tpu.memory_space<vmem_shared>>
      tpu.wait_indirect_dma semaphore(%arg10 : memref<!tpu.dma_semaphore, #tpu.memory_space<semaphore_mem>>) src(%dma_wait3A_809 : memref<8192x64xf32, #tpu.memory_space<vmem_shared>>) dst(%dma_wait3A_799 : memref<72x64xf32, #tpu.memory_space<vmem>>)
      %add3A_810 = arith.constant 2 : i32
      %add3A_811 = arith.addi %add3A_591, %add3A_810 : i32
      %min3A_812 = arith.constant 255 : i32
      %min3A_813 = arith.minsi %add3A_811, %min3A_812 : i32
      %mul3A_814 = arith.constant 2 : i32
      %mul3A_815 = arith.muli %min3A_813, %mul3A_814 : i32
      %add3A_816 = arith.addi %mul3A_2, %mul3A_815 : i32
      %dma_start3A_817 = arith.constant 0 : i32
      %dma_start3A_818 = arith.constant 0 : i32
      %dma_start3A_819 = arith.constant 0 : i32
      %dma_start3A_820 = tpu.memref_slice %arg5[%dma_start3A_817, %dma_start3A_818, %dma_start3A_819] : memref<2x2x200xi32, #tpu.memory_space<vmem>> -> memref<1x2x200xi32, #tpu.memory_space<vmem>>
      %dma_start3A_821 = tpu.memref_squeeze %dma_start3A_820 : memref<1x2x200xi32, #tpu.memory_space<vmem>> -> memref<2x200xi32, #tpu.memory_space<vmem>>
      %dma_start3A_822 = arith.constant 0 : i32
      %dma_start3A_823 = tpu.memref_slice %arg2[%add3A_816, %dma_start3A_822] : memref<16384x200xi32, #tpu.memory_space<hbm>> -> memref<2x200xi32, #tpu.memory_space<hbm>>
      %dma_start3A_824 = arith.constant 0 : i32
      %dma_start3A_825 = arith.constant 0 : i32
      %dma_start3A_826 = tpu.memref_slice %arg5[%dma_start3A_817, %dma_start3A_824, %dma_start3A_825] : memref<2x2x200xi32, #tpu.memory_space<vmem>> -> memref<1x2x200xi32, #tpu.memory_space<vmem>>
      %dma_start3A_827 = tpu.memref_squeeze %dma_start3A_826 : memref<1x2x200xi32, #tpu.memory_space<vmem>> -> memref<2x200xi32, #tpu.memory_space<vmem>>
      %dma_start3A_828 = arith.constant 0 : i32
      %dma_start3A_829 = tpu.memref_slice %arg2[%add3A_816, %dma_start3A_828] : memref<16384x200xi32, #tpu.memory_space<hbm>> -> memref<2x200xi32, #tpu.memory_space<hbm>>
      tpu.enqueue_dma source(%dma_start3A_829 : memref<2x200xi32, #tpu.memory_space<hbm>>) target(%dma_start3A_827 : memref<2x200xi32, #tpu.memory_space<vmem>>) target_semaphore(%arg8 : memref<!tpu.dma_semaphore, #tpu.memory_space<semaphore_mem>>)
      %mul3A_830 = arith.constant 2 : i32
      %mul3A_831 = arith.muli %add3A_591, %mul3A_830 : i32
      %add3A_832 = arith.addi %mul3A_2, %mul3A_831 : i32
      %dma_start3A_833 = arith.constant 0 : i32
      %dma_start3A_834 = arith.constant 0 : i32
      %dma_start3A_835 = arith.constant 0 : i32
      %dma_start3A_836 = arith.constant 0 : i32
      %dma_start3A_837 = tpu.memref_slice %arg6[%dma_start3A_833, %dma_start3A_834, %dma_start3A_835, %dma_start3A_836] : memref<2x2x200x64xf32, #tpu.memory_space<vmem>> -> memref<1x2x200x64xf32, #tpu.memory_space<vmem>>
      %dma_start3A_838 = tpu.memref_squeeze %dma_start3A_837 : memref<1x2x200x64xf32, #tpu.memory_space<vmem>> -> memref<2x200x64xf32, #tpu.memory_space<vmem>>
      %dma_start3A_839 = arith.constant 0 : i32
      %dma_start3A_840 = arith.constant 0 : i32
      %dma_start3A_841 = tpu.memref_slice %arg4[%add3A_832, %dma_start3A_839, %dma_start3A_840] : memref<16384x200x64xf32, #tpu.memory_space<hbm>> -> memref<2x200x64xf32, #tpu.memory_space<hbm>>
      %dma_start3A_842 = arith.constant 0 : i32
      %dma_start3A_843 = arith.constant 0 : i32
      %dma_start3A_844 = tpu.memref_slice %arg4[%add3A_832, %dma_start3A_842, %dma_start3A_843] : memref<16384x200x64xf32, #tpu.memory_space<hbm>> -> memref<2x200x64xf32, #tpu.memory_space<hbm>>
      %dma_start3A_845 = arith.constant 0 : i32
      %dma_start3A_846 = arith.constant 0 : i32
      %dma_start3A_847 = arith.constant 0 : i32
      %dma_start3A_848 = tpu.memref_slice %arg6[%dma_start3A_833, %dma_start3A_845, %dma_start3A_846, %dma_start3A_847] : memref<2x2x200x64xf32, #tpu.memory_space<vmem>> -> memref<1x2x200x64xf32, #tpu.memory_space<vmem>>
      %dma_start3A_849 = tpu.memref_squeeze %dma_start3A_848 : memref<1x2x200x64xf32, #tpu.memory_space<vmem>> -> memref<2x200x64xf32, #tpu.memory_space<vmem>>
      tpu.enqueue_dma source(%dma_start3A_849 : memref<2x200x64xf32, #tpu.memory_space<vmem>>) target(%dma_start3A_844 : memref<2x200x64xf32, #tpu.memory_space<hbm>>) target_semaphore(%arg12 : memref<!tpu.dma_semaphore, #tpu.memory_space<semaphore_mem>>)
      %mul3A_850 = arith.constant 2 : i32
      %mul3A_851 = arith.muli %scan3A_587, %mul3A_850 : i32
      %add3A_852 = arith.constant 1 : i32
      %add3A_853 = arith.addi %mul3A_851, %add3A_852 : i32
      %dma_wait3A_854 = arith.constant 1 : i32
      %dma_wait3A_855 = arith.constant 0 : i32
      %dma_wait3A_856 = arith.constant 0 : i32
      %dma_wait3A_857 = arith.constant 0 : i32
      %dma_wait3A_858 = tpu.memref_slice %arg6[%dma_wait3A_854, %dma_wait3A_855, %dma_wait3A_856, %dma_wait3A_857] : memref<2x2x200x64xf32, #tpu.memory_space<vmem>> -> memref<1x2x200x64xf32, #tpu.memory_space<vmem>>
      %dma_wait3A_859 = tpu.memref_squeeze %dma_wait3A_858 : memref<1x2x200x64xf32, #tpu.memory_space<vmem>> -> memref<2x200x64xf32, #tpu.memory_space<vmem>>
      %dma_wait3A_860 = arith.constant 0 : i32
      %dma_wait3A_861 = arith.constant 0 : i32
      %dma_wait3A_862 = arith.constant 0 : i32
      %dma_wait3A_863 = tpu.memref_slice %arg4[%dma_wait3A_860, %dma_wait3A_861, %dma_wait3A_862] : memref<16384x200x64xf32, #tpu.memory_space<hbm>> -> memref<2x200x64xf32, #tpu.memory_space<hbm>>
      %dma_wait3A_864 = arith.constant 0 : i32
      %dma_wait3A_865 = arith.constant 0 : i32
      %dma_wait3A_866 = arith.constant 0 : i32
      %dma_wait3A_867 = tpu.memref_slice %arg4[%dma_wait3A_864, %dma_wait3A_865, %dma_wait3A_866] : memref<16384x200x64xf32, #tpu.memory_space<hbm>> -> memref<2x200x64xf32, #tpu.memory_space<hbm>>
      %dma_wait3A_868 = arith.constant 0 : i32
      %dma_wait3A_869 = arith.constant 0 : i32
      %dma_wait3A_870 = arith.constant 0 : i32
      %dma_wait3A_871 = tpu.memref_slice %arg6[%dma_wait3A_854, %dma_wait3A_868, %dma_wait3A_869, %dma_wait3A_870] : memref<2x2x200x64xf32, #tpu.memory_space<vmem>> -> memref<1x2x200x64xf32, #tpu.memory_space<vmem>>
      %dma_wait3A_872 = tpu.memref_squeeze %dma_wait3A_871 : memref<1x2x200x64xf32, #tpu.memory_space<vmem>> -> memref<2x200x64xf32, #tpu.memory_space<vmem>>
      tpu.wait_dma2 semaphore(%arg13 : memref<!tpu.dma_semaphore, #tpu.memory_space<semaphore_mem>>) src(%dma_wait3A_872 : memref<2x200x64xf32, #tpu.memory_space<vmem>>) dst(%dma_wait3A_867 : memref<2x200x64xf32, #tpu.memory_space<hbm>>)
      %dma_wait3A_873 = arith.constant 1 : i32
      %dma_wait3A_874 = arith.constant 0 : i32
      %dma_wait3A_875 = arith.constant 0 : i32
      %dma_wait3A_876 = tpu.memref_slice %arg5[%dma_wait3A_873, %dma_wait3A_874, %dma_wait3A_875] : memref<2x2x200xi32, #tpu.memory_space<vmem>> -> memref<1x2x200xi32, #tpu.memory_space<vmem>>
      %dma_wait3A_877 = tpu.memref_squeeze %dma_wait3A_876 : memref<1x2x200xi32, #tpu.memory_space<vmem>> -> memref<2x200xi32, #tpu.memory_space<vmem>>
      %dma_wait3A_878 = arith.constant 0 : i32
      %dma_wait3A_879 = arith.constant 0 : i32
      %dma_wait3A_880 = tpu.memref_slice %arg2[%dma_wait3A_878, %dma_wait3A_879] : memref<16384x200xi32, #tpu.memory_space<hbm>> -> memref<2x200xi32, #tpu.memory_space<hbm>>
      %dma_wait3A_881 = arith.constant 0 : i32
      %dma_wait3A_882 = arith.constant 0 : i32
      %dma_wait3A_883 = tpu.memref_slice %arg5[%dma_wait3A_873, %dma_wait3A_881, %dma_wait3A_882] : memref<2x2x200xi32, #tpu.memory_space<vmem>> -> memref<1x2x200xi32, #tpu.memory_space<vmem>>
      %dma_wait3A_884 = tpu.memref_squeeze %dma_wait3A_883 : memref<1x2x200xi32, #tpu.memory_space<vmem>> -> memref<2x200xi32, #tpu.memory_space<vmem>>
      %dma_wait3A_885 = arith.constant 0 : i32
      %dma_wait3A_886 = arith.constant 0 : i32
      %dma_wait3A_887 = tpu.memref_slice %arg2[%dma_wait3A_885, %dma_wait3A_886] : memref<16384x200xi32, #tpu.memory_space<hbm>> -> memref<2x200xi32, #tpu.memory_space<hbm>>
      tpu.wait_dma2 semaphore(%arg9 : memref<!tpu.dma_semaphore, #tpu.memory_space<semaphore_mem>>) src(%dma_wait3A_887 : memref<2x200xi32, #tpu.memory_space<hbm>>) dst(%dma_wait3A_884 : memref<2x200xi32, #tpu.memory_space<vmem>>)
      %dma_start3A_888 = arith.constant 1 : i32
      %dma_start3A_889 = arith.constant 0 : i32
      %dma_start3A_890 = arith.constant 1 : i32
      %dma_start3A_891 = arith.constant 0 : i32
      %dma_start3A_892 = arith.constant 0 : i32
      %dma_start3A_893 = arith.constant 0 : i32
      %dma_start3A_894 = arith.constant 0 : i32
      %dma_start3A_895 = tpu.memref_slice %arg6[%dma_start3A_890, %dma_start3A_892, %dma_start3A_893, %dma_start3A_894] : memref<2x2x200x64xf32, #tpu.memory_space<vmem>> -> memref<1x2x200x64xf32, #tpu.memory_space<vmem>>
      %dma_start3A_896 = tpu.memref_squeeze %dma_start3A_895 : memref<1x2x200x64xf32, #tpu.memory_space<vmem>> -> memref<2x200x64xf32, #tpu.memory_space<vmem>>
      %dma_start3A_897 = arith.constant 0 : i32
      %dma_start3A_898 = arith.constant 0 : i32
      %dma_start3A_899 = tpu.memref_slice %dma_start3A_896[%dma_start3A_891, %dma_start3A_897, %dma_start3A_898] : memref<2x200x64xf32, #tpu.memory_space<vmem>> -> memref<1x128x64xf32, #tpu.memory_space<vmem>>
      %dma_start3A_900 = tpu.memref_squeeze %dma_start3A_899 : memref<1x128x64xf32, #tpu.memory_space<vmem>> -> memref<128x64xf32, #tpu.memory_space<vmem>>
      %dma_start3A_901 = arith.constant 0 : i32
      %dma_start3A_902 = arith.constant 0 : i32
      %dma_start3A_903 = tpu.memref_slice %arg5[%dma_start3A_888, %dma_start3A_901, %dma_start3A_902] : memref<2x2x200xi32, #tpu.memory_space<vmem>> -> memref<1x2x200xi32, #tpu.memory_space<vmem>>
      %dma_start3A_904 = tpu.memref_squeeze %dma_start3A_903 : memref<1x2x200xi32, #tpu.memory_space<vmem>> -> memref<2x200xi32, #tpu.memory_space<vmem>>
      %dma_start3A_905 = arith.constant 0 : i32
      %dma_start3A_906 = tpu.memref_slice %dma_start3A_904[%dma_start3A_889, %dma_start3A_905] : memref<2x200xi32, #tpu.memory_space<vmem>> -> memref<1x128xi32, #tpu.memory_space<vmem>>
      %dma_start3A_907 = tpu.memref_squeeze %dma_start3A_906 : memref<1x128xi32, #tpu.memory_space<vmem>> -> memref<128xi32, #tpu.memory_space<vmem>>
      %dma_start3A_908 = arith.constant 0 : i32
      %dma_start3A_909 = arith.constant 0 : i32
      %dma_start3A_910 = tpu.memref_slice %arg7[%dma_start3A_908, %dma_start3A_909] : memref<8192x64xf32, #tpu.memory_space<vmem_shared>> -> memref<8192x64xf32, #tpu.memory_space<vmem_shared>>
      tpu.enqueue_indirect_dma source(%dma_start3A_910 : memref<8192x64xf32, #tpu.memory_space<vmem_shared>>) target(%dma_start3A_900 : memref<128x64xf32, #tpu.memory_space<vmem>>) offsets(%dma_start3A_907 : memref<128xi32, #tpu.memory_space<vmem>>) semaphore(%arg11 : memref<!tpu.dma_semaphore, #tpu.memory_space<semaphore_mem>>)
      %dma_start3A_911 = arith.constant 1 : i32
      %dma_start3A_912 = arith.constant 0 : i32
      %dma_start3A_913 = arith.constant 1 : i32
      %dma_start3A_914 = arith.constant 0 : i32
      %dma_start3A_915 = arith.constant 0 : i32
      %dma_start3A_916 = arith.constant 0 : i32
      %dma_start3A_917 = arith.constant 0 : i32
      %dma_start3A_918 = tpu.memref_slice %arg6[%dma_start3A_913, %dma_start3A_915, %dma_start3A_916, %dma_start3A_917] : memref<2x2x200x64xf32, #tpu.memory_space<vmem>> -> memref<1x2x200x64xf32, #tpu.memory_space<vmem>>
      %dma_start3A_919 = tpu.memref_squeeze %dma_start3A_918 : memref<1x2x200x64xf32, #tpu.memory_space<vmem>> -> memref<2x200x64xf32, #tpu.memory_space<vmem>>
      %dma_start3A_920 = arith.constant 128 : i32
      %dma_start3A_921 = arith.constant 0 : i32
      %dma_start3A_922 = tpu.memref_slice %dma_start3A_919[%dma_start3A_914, %dma_start3A_920, %dma_start3A_921] : memref<2x200x64xf32, #tpu.memory_space<vmem>> -> memref<1x72x64xf32, #tpu.memory_space<vmem>>
      %dma_start3A_923 = tpu.memref_squeeze %dma_start3A_922 : memref<1x72x64xf32, #tpu.memory_space<vmem>> -> memref<72x64xf32, #tpu.memory_space<vmem>>
      %dma_start3A_924 = arith.constant 0 : i32
      %dma_start3A_925 = arith.constant 0 : i32
      %dma_start3A_926 = tpu.memref_slice %arg5[%dma_start3A_911, %dma_start3A_924, %dma_start3A_925] : memref<2x2x200xi32, #tpu.memory_space<vmem>> -> memref<1x2x200xi32, #tpu.memory_space<vmem>>
      %dma_start3A_927 = tpu.memref_squeeze %dma_start3A_926 : memref<1x2x200xi32, #tpu.memory_space<vmem>> -> memref<2x200xi32, #tpu.memory_space<vmem>>
      %dma_start3A_928 = arith.constant 128 : i32
      %dma_start3A_929 = tpu.memref_slice %dma_start3A_927[%dma_start3A_912, %dma_start3A_928] : memref<2x200xi32, #tpu.memory_space<vmem>> -> memref<1x72xi32, #tpu.memory_space<vmem>>
      %dma_start3A_930 = tpu.memref_squeeze %dma_start3A_929 : memref<1x72xi32, #tpu.memory_space<vmem>> -> memref<72xi32, #tpu.memory_space<vmem>>
      %dma_start3A_931 = arith.constant 0 : i32
      %dma_start3A_932 = arith.constant 0 : i32
      %dma_start3A_933 = tpu.memref_slice %arg7[%dma_start3A_931, %dma_start3A_932] : memref<8192x64xf32, #tpu.memory_space<vmem_shared>> -> memref<8192x64xf32, #tpu.memory_space<vmem_shared>>
      tpu.enqueue_indirect_dma source(%dma_start3A_933 : memref<8192x64xf32, #tpu.memory_space<vmem_shared>>) target(%dma_start3A_923 : memref<72x64xf32, #tpu.memory_space<vmem>>) offsets(%dma_start3A_930 : memref<72xi32, #tpu.memory_space<vmem>>) semaphore(%arg11 : memref<!tpu.dma_semaphore, #tpu.memory_space<semaphore_mem>>)
      %dma_start3A_934 = arith.constant 1 : i32
      %dma_start3A_935 = arith.constant 1 : i32
      %dma_start3A_936 = arith.constant 1 : i32
      %dma_start3A_937 = arith.constant 1 : i32
      %dma_start3A_938 = arith.constant 0 : i32
      %dma_start3A_939 = arith.constant 0 : i32
      %dma_start3A_940 = arith.constant 0 : i32
      %dma_start3A_941 = tpu.memref_slice %arg6[%dma_start3A_936, %dma_start3A_938, %dma_start3A_939, %dma_start3A_940] : memref<2x2x200x64xf32, #tpu.memory_space<vmem>> -> memref<1x2x200x64xf32, #tpu.memory_space<vmem>>
      %dma_start3A_942 = tpu.memref_squeeze %dma_start3A_941 : memref<1x2x200x64xf32, #tpu.memory_space<vmem>> -> memref<2x200x64xf32, #tpu.memory_space<vmem>>
      %dma_start3A_943 = arith.constant 0 : i32
      %dma_start3A_944 = arith.constant 0 : i32
      %dma_start3A_945 = tpu.memref_slice %dma_start3A_942[%dma_start3A_937, %dma_start3A_943, %dma_start3A_944] : memref<2x200x64xf32, #tpu.memory_space<vmem>> -> memref<1x128x64xf32, #tpu.memory_space<vmem>>
      %dma_start3A_946 = tpu.memref_squeeze %dma_start3A_945 : memref<1x128x64xf32, #tpu.memory_space<vmem>> -> memref<128x64xf32, #tpu.memory_space<vmem>>
      %dma_start3A_947 = arith.constant 0 : i32
      %dma_start3A_948 = arith.constant 0 : i32
      %dma_start3A_949 = tpu.memref_slice %arg5[%dma_start3A_934, %dma_start3A_947, %dma_start3A_948] : memref<2x2x200xi32, #tpu.memory_space<vmem>> -> memref<1x2x200xi32, #tpu.memory_space<vmem>>
      %dma_start3A_950 = tpu.memref_squeeze %dma_start3A_949 : memref<1x2x200xi32, #tpu.memory_space<vmem>> -> memref<2x200xi32, #tpu.memory_space<vmem>>
      %dma_start3A_951 = arith.constant 0 : i32
      %dma_start3A_952 = tpu.memref_slice %dma_start3A_950[%dma_start3A_935, %dma_start3A_951] : memref<2x200xi32, #tpu.memory_space<vmem>> -> memref<1x128xi32, #tpu.memory_space<vmem>>
      %dma_start3A_953 = tpu.memref_squeeze %dma_start3A_952 : memref<1x128xi32, #tpu.memory_space<vmem>> -> memref<128xi32, #tpu.memory_space<vmem>>
      %dma_start3A_954 = arith.constant 0 : i32
      %dma_start3A_955 = arith.constant 0 : i32
      %dma_start3A_956 = tpu.memref_slice %arg7[%dma_start3A_954, %dma_start3A_955] : memref<8192x64xf32, #tpu.memory_space<vmem_shared>> -> memref<8192x64xf32, #tpu.memory_space<vmem_shared>>
      tpu.enqueue_indirect_dma source(%dma_start3A_956 : memref<8192x64xf32, #tpu.memory_space<vmem_shared>>) target(%dma_start3A_946 : memref<128x64xf32, #tpu.memory_space<vmem>>) offsets(%dma_start3A_953 : memref<128xi32, #tpu.memory_space<vmem>>) semaphore(%arg11 : memref<!tpu.dma_semaphore, #tpu.memory_space<semaphore_mem>>)
      %dma_start3A_957 = arith.constant 1 : i32
      %dma_start3A_958 = arith.constant 1 : i32
      %dma_start3A_959 = arith.constant 1 : i32
      %dma_start3A_960 = arith.constant 1 : i32
      %dma_start3A_961 = arith.constant 0 : i32
      %dma_start3A_962 = arith.constant 0 : i32
      %dma_start3A_963 = arith.constant 0 : i32
      %dma_start3A_964 = tpu.memref_slice %arg6[%dma_start3A_959, %dma_start3A_961, %dma_start3A_962, %dma_start3A_963] : memref<2x2x200x64xf32, #tpu.memory_space<vmem>> -> memref<1x2x200x64xf32, #tpu.memory_space<vmem>>
      %dma_start3A_965 = tpu.memref_squeeze %dma_start3A_964 : memref<1x2x200x64xf32, #tpu.memory_space<vmem>> -> memref<2x200x64xf32, #tpu.memory_space<vmem>>
      %dma_start3A_966 = arith.constant 128 : i32
      %dma_start3A_967 = arith.constant 0 : i32
      %dma_start3A_968 = tpu.memref_slice %dma_start3A_965[%dma_start3A_960, %dma_start3A_966, %dma_start3A_967] : memref<2x200x64xf32, #tpu.memory_space<vmem>> -> memref<1x72x64xf32, #tpu.memory_space<vmem>>
      %dma_start3A_969 = tpu.memref_squeeze %dma_start3A_968 : memref<1x72x64xf32, #tpu.memory_space<vmem>> -> memref<72x64xf32, #tpu.memory_space<vmem>>
      %dma_start3A_970 = arith.constant 0 : i32
      %dma_start3A_971 = arith.constant 0 : i32
      %dma_start3A_972 = tpu.memref_slice %arg5[%dma_start3A_957, %dma_start3A_970, %dma_start3A_971] : memref<2x2x200xi32, #tpu.memory_space<vmem>> -> memref<1x2x200xi32, #tpu.memory_space<vmem>>
      %dma_start3A_973 = tpu.memref_squeeze %dma_start3A_972 : memref<1x2x200xi32, #tpu.memory_space<vmem>> -> memref<2x200xi32, #tpu.memory_space<vmem>>
      %dma_start3A_974 = arith.constant 128 : i32
      %dma_start3A_975 = tpu.memref_slice %dma_start3A_973[%dma_start3A_958, %dma_start3A_974] : memref<2x200xi32, #tpu.memory_space<vmem>> -> memref<1x72xi32, #tpu.memory_space<vmem>>
      %dma_start3A_976 = tpu.memref_squeeze %dma_start3A_975 : memref<1x72xi32, #tpu.memory_space<vmem>> -> memref<72xi32, #tpu.memory_space<vmem>>
      %dma_start3A_977 = arith.constant 0 : i32
      %dma_start3A_978 = arith.constant 0 : i32
      %dma_start3A_979 = tpu.memref_slice %arg7[%dma_start3A_977, %dma_start3A_978] : memref<8192x64xf32, #tpu.memory_space<vmem_shared>> -> memref<8192x64xf32, #tpu.memory_space<vmem_shared>>
      tpu.enqueue_indirect_dma source(%dma_start3A_979 : memref<8192x64xf32, #tpu.memory_space<vmem_shared>>) target(%dma_start3A_969 : memref<72x64xf32, #tpu.memory_space<vmem>>) offsets(%dma_start3A_976 : memref<72xi32, #tpu.memory_space<vmem>>) semaphore(%arg11 : memref<!tpu.dma_semaphore, #tpu.memory_space<semaphore_mem>>)
      %dma_wait3A_980 = arith.constant 1 : i32
      %dma_wait3A_981 = arith.constant 0 : i32
      %dma_wait3A_982 = arith.constant 1 : i32
      %dma_wait3A_983 = arith.constant 0 : i32
      %dma_wait3A_984 = arith.constant 0 : i32
      %dma_wait3A_985 = arith.constant 0 : i32
      %dma_wait3A_986 = arith.constant 0 : i32
      %dma_wait3A_987 = tpu.memref_slice %arg6[%dma_wait3A_982, %dma_wait3A_984, %dma_wait3A_985, %dma_wait3A_986] : memref<2x2x200x64xf32, #tpu.memory_space<vmem>> -> memref<1x2x200x64xf32, #tpu.memory_space<vmem>>
      %dma_wait3A_988 = tpu.memref_squeeze %dma_wait3A_987 : memref<1x2x200x64xf32, #tpu.memory_space<vmem>> -> memref<2x200x64xf32, #tpu.memory_space<vmem>>
      %dma_wait3A_989 = arith.constant 0 : i32
      %dma_wait3A_990 = arith.constant 0 : i32
      %dma_wait3A_991 = tpu.memref_slice %dma_wait3A_988[%dma_wait3A_983, %dma_wait3A_989, %dma_wait3A_990] : memref<2x200x64xf32, #tpu.memory_space<vmem>> -> memref<1x128x64xf32, #tpu.memory_space<vmem>>
      %dma_wait3A_992 = tpu.memref_squeeze %dma_wait3A_991 : memref<1x128x64xf32, #tpu.memory_space<vmem>> -> memref<128x64xf32, #tpu.memory_space<vmem>>
      %dma_wait3A_993 = arith.constant 0 : i32
      %dma_wait3A_994 = arith.constant 0 : i32
      %dma_wait3A_995 = tpu.memref_slice %arg5[%dma_wait3A_980, %dma_wait3A_993, %dma_wait3A_994] : memref<2x2x200xi32, #tpu.memory_space<vmem>> -> memref<1x2x200xi32, #tpu.memory_space<vmem>>
      %dma_wait3A_996 = tpu.memref_squeeze %dma_wait3A_995 : memref<1x2x200xi32, #tpu.memory_space<vmem>> -> memref<2x200xi32, #tpu.memory_space<vmem>>
      %dma_wait3A_997 = arith.constant 0 : i32
      %dma_wait3A_998 = tpu.memref_slice %dma_wait3A_996[%dma_wait3A_981, %dma_wait3A_997] : memref<2x200xi32, #tpu.memory_space<vmem>> -> memref<1x128xi32, #tpu.memory_space<vmem>>
      %dma_wait3A_999 = tpu.memref_squeeze %dma_wait3A_998 : memref<1x128xi32, #tpu.memory_space<vmem>> -> memref<128xi32, #tpu.memory_space<vmem>>
      %dma_wait3A_1000 = arith.constant 0 : i32
      %dma_wait3A_1001 = arith.constant 0 : i32
      %dma_wait3A_1002 = tpu.memref_slice %arg7[%dma_wait3A_1000, %dma_wait3A_1001] : memref<8192x64xf32, #tpu.memory_space<vmem_shared>> -> memref<8192x64xf32, #tpu.memory_space<vmem_shared>>
      tpu.wait_indirect_dma semaphore(%arg11 : memref<!tpu.dma_semaphore, #tpu.memory_space<semaphore_mem>>) src(%dma_wait3A_1002 : memref<8192x64xf32, #tpu.memory_space<vmem_shared>>) dst(%dma_wait3A_992 : memref<128x64xf32, #tpu.memory_space<vmem>>)
      %dma_wait3A_1003 = arith.constant 1 : i32
      %dma_wait3A_1004 = arith.constant 0 : i32
      %dma_wait3A_1005 = arith.constant 1 : i32
      %dma_wait3A_1006 = arith.constant 0 : i32
      %dma_wait3A_1007 = arith.constant 0 : i32
      %dma_wait3A_1008 = arith.constant 0 : i32
      %dma_wait3A_1009 = arith.constant 0 : i32
      %dma_wait3A_1010 = tpu.memref_slice %arg6[%dma_wait3A_1005, %dma_wait3A_1007, %dma_wait3A_1008, %dma_wait3A_1009] : memref<2x2x200x64xf32, #tpu.memory_space<vmem>> -> memref<1x2x200x64xf32, #tpu.memory_space<vmem>>
      %dma_wait3A_1011 = tpu.memref_squeeze %dma_wait3A_1010 : memref<1x2x200x64xf32, #tpu.memory_space<vmem>> -> memref<2x200x64xf32, #tpu.memory_space<vmem>>
      %dma_wait3A_1012 = arith.constant 128 : i32
      %dma_wait3A_1013 = arith.constant 0 : i32
      %dma_wait3A_1014 = tpu.memref_slice %dma_wait3A_1011[%dma_wait3A_1006, %dma_wait3A_1012, %dma_wait3A_1013] : memref<2x200x64xf32, #tpu.memory_space<vmem>> -> memref<1x72x64xf32, #tpu.memory_space<vmem>>
      %dma_wait3A_1015 = tpu.memref_squeeze %dma_wait3A_1014 : memref<1x72x64xf32, #tpu.memory_space<vmem>> -> memref<72x64xf32, #tpu.memory_space<vmem>>
      %dma_wait3A_1016 = arith.constant 0 : i32
      %dma_wait3A_1017 = arith.constant 0 : i32
      %dma_wait3A_1018 = tpu.memref_slice %arg5[%dma_wait3A_1003, %dma_wait3A_1016, %dma_wait3A_1017] : memref<2x2x200xi32, #tpu.memory_space<vmem>> -> memref<1x2x200xi32, #tpu.memory_space<vmem>>
      %dma_wait3A_1019 = tpu.memref_squeeze %dma_wait3A_1018 : memref<1x2x200xi32, #tpu.memory_space<vmem>> -> memref<2x200xi32, #tpu.memory_space<vmem>>
      %dma_wait3A_1020 = arith.constant 128 : i32
      %dma_wait3A_1021 = tpu.memref_slice %dma_wait3A_1019[%dma_wait3A_1004, %dma_wait3A_1020] : memref<2x200xi32, #tpu.memory_space<vmem>> -> memref<1x72xi32, #tpu.memory_space<vmem>>
      %dma_wait3A_1022 = tpu.memref_squeeze %dma_wait3A_1021 : memref<1x72xi32, #tpu.memory_space<vmem>> -> memref<72xi32, #tpu.memory_space<vmem>>
      %dma_wait3A_1023 = arith.constant 0 : i32
      %dma_wait3A_1024 = arith.constant 0 : i32
      %dma_wait3A_1025 = tpu.memref_slice %arg7[%dma_wait3A_1023, %dma_wait3A_1024] : memref<8192x64xf32, #tpu.memory_space<vmem_shared>> -> memref<8192x64xf32, #tpu.memory_space<vmem_shared>>
      tpu.wait_indirect_dma semaphore(%arg11 : memref<!tpu.dma_semaphore, #tpu.memory_space<semaphore_mem>>) src(%dma_wait3A_1025 : memref<8192x64xf32, #tpu.memory_space<vmem_shared>>) dst(%dma_wait3A_1015 : memref<72x64xf32, #tpu.memory_space<vmem>>)
      %dma_wait3A_1026 = arith.constant 1 : i32
      %dma_wait3A_1027 = arith.constant 1 : i32
      %dma_wait3A_1028 = arith.constant 1 : i32
      %dma_wait3A_1029 = arith.constant 1 : i32
      %dma_wait3A_1030 = arith.constant 0 : i32
      %dma_wait3A_1031 = arith.constant 0 : i32
      %dma_wait3A_1032 = arith.constant 0 : i32
      %dma_wait3A_1033 = tpu.memref_slice %arg6[%dma_wait3A_1028, %dma_wait3A_1030, %dma_wait3A_1031, %dma_wait3A_1032] : memref<2x2x200x64xf32, #tpu.memory_space<vmem>> -> memref<1x2x200x64xf32, #tpu.memory_space<vmem>>
      %dma_wait3A_1034 = tpu.memref_squeeze %dma_wait3A_1033 : memref<1x2x200x64xf32, #tpu.memory_space<vmem>> -> memref<2x200x64xf32, #tpu.memory_space<vmem>>
      %dma_wait3A_1035 = arith.constant 0 : i32
      %dma_wait3A_1036 = arith.constant 0 : i32
      %dma_wait3A_1037 = tpu.memref_slice %dma_wait3A_1034[%dma_wait3A_1029, %dma_wait3A_1035, %dma_wait3A_1036] : memref<2x200x64xf32, #tpu.memory_space<vmem>> -> memref<1x128x64xf32, #tpu.memory_space<vmem>>
      %dma_wait3A_1038 = tpu.memref_squeeze %dma_wait3A_1037 : memref<1x128x64xf32, #tpu.memory_space<vmem>> -> memref<128x64xf32, #tpu.memory_space<vmem>>
      %dma_wait3A_1039 = arith.constant 0 : i32
      %dma_wait3A_1040 = arith.constant 0 : i32
      %dma_wait3A_1041 = tpu.memref_slice %arg5[%dma_wait3A_1026, %dma_wait3A_1039, %dma_wait3A_1040] : memref<2x2x200xi32, #tpu.memory_space<vmem>> -> memref<1x2x200xi32, #tpu.memory_space<vmem>>
      %dma_wait3A_1042 = tpu.memref_squeeze %dma_wait3A_1041 : memref<1x2x200xi32, #tpu.memory_space<vmem>> -> memref<2x200xi32, #tpu.memory_space<vmem>>
      %dma_wait3A_1043 = arith.constant 0 : i32
      %dma_wait3A_1044 = tpu.memref_slice %dma_wait3A_1042[%dma_wait3A_1027, %dma_wait3A_1043] : memref<2x200xi32, #tpu.memory_space<vmem>> -> memref<1x128xi32, #tpu.memory_space<vmem>>
      %dma_wait3A_1045 = tpu.memref_squeeze %dma_wait3A_1044 : memref<1x128xi32, #tpu.memory_space<vmem>> -> memref<128xi32, #tpu.memory_space<vmem>>
      %dma_wait3A_1046 = arith.constant 0 : i32
      %dma_wait3A_1047 = arith.constant 0 : i32
      %dma_wait3A_1048 = tpu.memref_slice %arg7[%dma_wait3A_1046, %dma_wait3A_1047] : memref<8192x64xf32, #tpu.memory_space<vmem_shared>> -> memref<8192x64xf32, #tpu.memory_space<vmem_shared>>
      tpu.wait_indirect_dma semaphore(%arg11 : memref<!tpu.dma_semaphore, #tpu.memory_space<semaphore_mem>>) src(%dma_wait3A_1048 : memref<8192x64xf32, #tpu.memory_space<vmem_shared>>) dst(%dma_wait3A_1038 : memref<128x64xf32, #tpu.memory_space<vmem>>)
      %dma_wait3A_1049 = arith.constant 1 : i32
      %dma_wait3A_1050 = arith.constant 1 : i32
      %dma_wait3A_1051 = arith.constant 1 : i32
      %dma_wait3A_1052 = arith.constant 1 : i32
      %dma_wait3A_1053 = arith.constant 0 : i32
      %dma_wait3A_1054 = arith.constant 0 : i32
      %dma_wait3A_1055 = arith.constant 0 : i32
      %dma_wait3A_1056 = tpu.memref_slice %arg6[%dma_wait3A_1051, %dma_wait3A_1053, %dma_wait3A_1054, %dma_wait3A_1055] : memref<2x2x200x64xf32, #tpu.memory_space<vmem>> -> memref<1x2x200x64xf32, #tpu.memory_space<vmem>>
      %dma_wait3A_1057 = tpu.memref_squeeze %dma_wait3A_1056 : memref<1x2x200x64xf32, #tpu.memory_space<vmem>> -> memref<2x200x64xf32, #tpu.memory_space<vmem>>
      %dma_wait3A_1058 = arith.constant 128 : i32
      %dma_wait3A_1059 = arith.constant 0 : i32
      %dma_wait3A_1060 = tpu.memref_slice %dma_wait3A_1057[%dma_wait3A_1052, %dma_wait3A_1058, %dma_wait3A_1059] : memref<2x200x64xf32, #tpu.memory_space<vmem>> -> memref<1x72x64xf32, #tpu.memory_space<vmem>>
      %dma_wait3A_1061 = tpu.memref_squeeze %dma_wait3A_1060 : memref<1x72x64xf32, #tpu.memory_space<vmem>> -> memref<72x64xf32, #tpu.memory_space<vmem>>
      %dma_wait3A_1062 = arith.constant 0 : i32
      %dma_wait3A_1063 = arith.constant 0 : i32
      %dma_wait3A_1064 = tpu.memref_slice %arg5[%dma_wait3A_1049, %dma_wait3A_1062, %dma_wait3A_1063] : memref<2x2x200xi32, #tpu.memory_space<vmem>> -> memref<1x2x200xi32, #tpu.memory_space<vmem>>
      %dma_wait3A_1065 = tpu.memref_squeeze %dma_wait3A_1064 : memref<1x2x200xi32, #tpu.memory_space<vmem>> -> memref<2x200xi32, #tpu.memory_space<vmem>>
      %dma_wait3A_1066 = arith.constant 128 : i32
      %dma_wait3A_1067 = tpu.memref_slice %dma_wait3A_1065[%dma_wait3A_1050, %dma_wait3A_1066] : memref<2x200xi32, #tpu.memory_space<vmem>> -> memref<1x72xi32, #tpu.memory_space<vmem>>
      %dma_wait3A_1068 = tpu.memref_squeeze %dma_wait3A_1067 : memref<1x72xi32, #tpu.memory_space<vmem>> -> memref<72xi32, #tpu.memory_space<vmem>>
      %dma_wait3A_1069 = arith.constant 0 : i32
      %dma_wait3A_1070 = arith.constant 0 : i32
      %dma_wait3A_1071 = tpu.memref_slice %arg7[%dma_wait3A_1069, %dma_wait3A_1070] : memref<8192x64xf32, #tpu.memory_space<vmem_shared>> -> memref<8192x64xf32, #tpu.memory_space<vmem_shared>>
      tpu.wait_indirect_dma semaphore(%arg11 : memref<!tpu.dma_semaphore, #tpu.memory_space<semaphore_mem>>) src(%dma_wait3A_1071 : memref<8192x64xf32, #tpu.memory_space<vmem_shared>>) dst(%dma_wait3A_1061 : memref<72x64xf32, #tpu.memory_space<vmem>>)
      %add3A_1072 = arith.constant 2 : i32
      %add3A_1073 = arith.addi %add3A_853, %add3A_1072 : i32
      %min3A_1074 = arith.constant 255 : i32
      %min3A_1075 = arith.minsi %add3A_1073, %min3A_1074 : i32
      %mul3A_1076 = arith.constant 2 : i32
      %mul3A_1077 = arith.muli %min3A_1075, %mul3A_1076 : i32
      %add3A_1078 = arith.addi %mul3A_2, %mul3A_1077 : i32
      %dma_start3A_1079 = arith.constant 1 : i32
      %dma_start3A_1080 = arith.constant 0 : i32
      %dma_start3A_1081 = arith.constant 0 : i32
      %dma_start3A_1082 = tpu.memref_slice %arg5[%dma_start3A_1079, %dma_start3A_1080, %dma_start3A_1081] : memref<2x2x200xi32, #tpu.memory_space<vmem>> -> memref<1x2x200xi32, #tpu.memory_space<vmem>>
      %dma_start3A_1083 = tpu.memref_squeeze %dma_start3A_1082 : memref<1x2x200xi32, #tpu.memory_space<vmem>> -> memref<2x200xi32, #tpu.memory_space<vmem>>
      %dma_start3A_1084 = arith.constant 0 : i32
      %dma_start3A_1085 = tpu.memref_slice %arg2[%add3A_1078, %dma_start3A_1084] : memref<16384x200xi32, #tpu.memory_space<hbm>> -> memref<2x200xi32, #tpu.memory_space<hbm>>
      %dma_start3A_1086 = arith.constant 0 : i32
      %dma_start3A_1087 = arith.constant 0 : i32
      %dma_start3A_1088 = tpu.memref_slice %arg5[%dma_start3A_1079, %dma_start3A_1086, %dma_start3A_1087] : memref<2x2x200xi32, #tpu.memory_space<vmem>> -> memref<1x2x200xi32, #tpu.memory_space<vmem>>
      %dma_start3A_1089 = tpu.memref_squeeze %dma_start3A_1088 : memref<1x2x200xi32, #tpu.memory_space<vmem>> -> memref<2x200xi32, #tpu.memory_space<vmem>>
      %dma_start3A_1090 = arith.constant 0 : i32
      %dma_start3A_1091 = tpu.memref_slice %arg2[%add3A_1078, %dma_start3A_1090] : memref<16384x200xi32, #tpu.memory_space<hbm>> -> memref<2x200xi32, #tpu.memory_space<hbm>>
      tpu.enqueue_dma source(%dma_start3A_1091 : memref<2x200xi32, #tpu.memory_space<hbm>>) target(%dma_start3A_1089 : memref<2x200xi32, #tpu.memory_space<vmem>>) target_semaphore(%arg9 : memref<!tpu.dma_semaphore, #tpu.memory_space<semaphore_mem>>)
      %mul3A_1092 = arith.constant 2 : i32
      %mul3A_1093 = arith.muli %add3A_853, %mul3A_1092 : i32
      %add3A_1094 = arith.addi %mul3A_2, %mul3A_1093 : i32
      %dma_start3A_1095 = arith.constant 1 : i32
      %dma_start3A_1096 = arith.constant 0 : i32
      %dma_start3A_1097 = arith.constant 0 : i32
      %dma_start3A_1098 = arith.constant 0 : i32
      %dma_start3A_1099 = tpu.memref_slice %arg6[%dma_start3A_1095, %dma_start3A_1096, %dma_start3A_1097, %dma_start3A_1098] : memref<2x2x200x64xf32, #tpu.memory_space<vmem>> -> memref<1x2x200x64xf32, #tpu.memory_space<vmem>>
      %dma_start3A_1100 = tpu.memref_squeeze %dma_start3A_1099 : memref<1x2x200x64xf32, #tpu.memory_space<vmem>> -> memref<2x200x64xf32, #tpu.memory_space<vmem>>
      %dma_start3A_1101 = arith.constant 0 : i32
      %dma_start3A_1102 = arith.constant 0 : i32
      %dma_start3A_1103 = tpu.memref_slice %arg4[%add3A_1094, %dma_start3A_1101, %dma_start3A_1102] : memref<16384x200x64xf32, #tpu.memory_space<hbm>> -> memref<2x200x64xf32, #tpu.memory_space<hbm>>
      %dma_start3A_1104 = arith.constant 0 : i32
      %dma_start3A_1105 = arith.constant 0 : i32
      %dma_start3A_1106 = tpu.memref_slice %arg4[%add3A_1094, %dma_start3A_1104, %dma_start3A_1105] : memref<16384x200x64xf32, #tpu.memory_space<hbm>> -> memref<2x200x64xf32, #tpu.memory_space<hbm>>
      %dma_start3A_1107 = arith.constant 0 : i32
      %dma_start3A_1108 = arith.constant 0 : i32
      %dma_start3A_1109 = arith.constant 0 : i32
      %dma_start3A_1110 = tpu.memref_slice %arg6[%dma_start3A_1095, %dma_start3A_1107, %dma_start3A_1108, %dma_start3A_1109] : memref<2x2x200x64xf32, #tpu.memory_space<vmem>> -> memref<1x2x200x64xf32, #tpu.memory_space<vmem>>
      %dma_start3A_1111 = tpu.memref_squeeze %dma_start3A_1110 : memref<1x2x200x64xf32, #tpu.memory_space<vmem>> -> memref<2x200x64xf32, #tpu.memory_space<vmem>>
      tpu.enqueue_dma source(%dma_start3A_1111 : memref<2x200x64xf32, #tpu.memory_space<vmem>>) target(%dma_start3A_1106 : memref<2x200x64xf32, #tpu.memory_space<hbm>>) target_semaphore(%arg13 : memref<!tpu.dma_semaphore, #tpu.memory_space<semaphore_mem>>)
    }
    %scan3A_518 = arith.constant 127 : i32
    %dma_wait3A_519 = arith.constant 0 : i32
    %dma_wait3A_520 = arith.constant 0 : i32
    %dma_wait3A_521 = arith.constant 0 : i32
    %dma_wait3A_522 = arith.constant 0 : i32
    %dma_wait3A_523 = tpu.memref_slice %arg6[%dma_wait3A_519, %dma_wait3A_520, %dma_wait3A_521, %dma_wait3A_522] : memref<2x2x200x64xf32, #tpu.memory_space<vmem>> -> memref<1x2x200x64xf32, #tpu.memory_space<vmem>>
    %dma_wait3A_524 = tpu.memref_squeeze %dma_wait3A_523 : memref<1x2x200x64xf32, #tpu.memory_space<vmem>> -> memref<2x200x64xf32, #tpu.memory_space<vmem>>
    %dma_wait3A_525 = arith.constant 0 : i32
    %dma_wait3A_526 = arith.constant 0 : i32
    %dma_wait3A_527 = arith.constant 0 : i32
    %dma_wait3A_528 = tpu.memref_slice %arg4[%dma_wait3A_525, %dma_wait3A_526, %dma_wait3A_527] : memref<16384x200x64xf32, #tpu.memory_space<hbm>> -> memref<2x200x64xf32, #tpu.memory_space<hbm>>
    %dma_wait3A_529 = arith.constant 0 : i32
    %dma_wait3A_530 = arith.constant 0 : i32
    %dma_wait3A_531 = arith.constant 0 : i32
    %dma_wait3A_532 = tpu.memref_slice %arg4[%dma_wait3A_529, %dma_wait3A_530, %dma_wait3A_531] : memref<16384x200x64xf32, #tpu.memory_space<hbm>> -> memref<2x200x64xf32, #tpu.memory_space<hbm>>
    %dma_wait3A_533 = arith.constant 0 : i32
    %dma_wait3A_534 = arith.constant 0 : i32
    %dma_wait3A_535 = arith.constant 0 : i32
    %dma_wait3A_536 = tpu.memref_slice %arg6[%dma_wait3A_519, %dma_wait3A_533, %dma_wait3A_534, %dma_wait3A_535] : memref<2x2x200x64xf32, #tpu.memory_space<vmem>> -> memref<1x2x200x64xf32, #tpu.memory_space<vmem>>
    %dma_wait3A_537 = tpu.memref_squeeze %dma_wait3A_536 : memref<1x2x200x64xf32, #tpu.memory_space<vmem>> -> memref<2x200x64xf32, #tpu.memory_space<vmem>>
    tpu.wait_dma2 semaphore(%arg12 : memref<!tpu.dma_semaphore, #tpu.memory_space<semaphore_mem>>) src(%dma_wait3A_537 : memref<2x200x64xf32, #tpu.memory_space<vmem>>) dst(%dma_wait3A_532 : memref<2x200x64xf32, #tpu.memory_space<hbm>>)
    %dma_wait3A_538 = arith.constant 0 : i32
    %dma_wait3A_539 = arith.constant 0 : i32
    %dma_wait3A_540 = arith.constant 0 : i32
    %dma_wait3A_541 = tpu.memref_slice %arg5[%dma_wait3A_538, %dma_wait3A_539, %dma_wait3A_540] : memref<2x2x200xi32, #tpu.memory_space<vmem>> -> memref<1x2x200xi32, #tpu.memory_space<vmem>>
    %dma_wait3A_542 = tpu.memref_squeeze %dma_wait3A_541 : memref<1x2x200xi32, #tpu.memory_space<vmem>> -> memref<2x200xi32, #tpu.memory_space<vmem>>
    %dma_wait3A_543 = arith.constant 0 : i32
    %dma_wait3A_544 = arith.constant 0 : i32
    %dma_wait3A_545 = tpu.memref_slice %arg2[%dma_wait3A_543, %dma_wait3A_544] : memref<16384x200xi32, #tpu.memory_space<hbm>> -> memref<2x200xi32, #tpu.memory_space<hbm>>
    %dma_wait3A_546 = arith.constant 0 : i32
    %dma_wait3A_547 = arith.constant 0 : i32
    %dma_wait3A_548 = tpu.memref_slice %arg5[%dma_wait3A_538, %dma_wait3A_546, %dma_wait3A_547] : memref<2x2x200xi32, #tpu.memory_space<vmem>> -> memref<1x2x200xi32, #tpu.memory_space<vmem>>
    %dma_wait3A_549 = tpu.memref_squeeze %dma_wait3A_548 : memref<1x2x200xi32, #tpu.memory_space<vmem>> -> memref<2x200xi32, #tpu.memory_space<vmem>>
    %dma_wait3A_550 = arith.constant 0 : i32
    %dma_wait3A_551 = arith.constant 0 : i32
    %dma_wait3A_552 = tpu.memref_slice %arg2[%dma_wait3A_550, %dma_wait3A_551] : memref<16384x200xi32, #tpu.memory_space<hbm>> -> memref<2x200xi32, #tpu.memory_space<hbm>>
    tpu.wait_dma2 semaphore(%arg8 : memref<!tpu.dma_semaphore, #tpu.memory_space<semaphore_mem>>) src(%dma_wait3A_552 : memref<2x200xi32, #tpu.memory_space<hbm>>) dst(%dma_wait3A_549 : memref<2x200xi32, #tpu.memory_space<vmem>>)
    %dma_wait3A_553 = arith.constant 1 : i32
    %dma_wait3A_554 = arith.constant 0 : i32
    %dma_wait3A_555 = arith.constant 0 : i32
    %dma_wait3A_556 = arith.constant 0 : i32
    %dma_wait3A_557 = tpu.memref_slice %arg6[%dma_wait3A_553, %dma_wait3A_554, %dma_wait3A_555, %dma_wait3A_556] : memref<2x2x200x64xf32, #tpu.memory_space<vmem>> -> memref<1x2x200x64xf32, #tpu.memory_space<vmem>>
    %dma_wait3A_558 = tpu.memref_squeeze %dma_wait3A_557 : memref<1x2x200x64xf32, #tpu.memory_space<vmem>> -> memref<2x200x64xf32, #tpu.memory_space<vmem>>
    %dma_wait3A_559 = arith.constant 0 : i32
    %dma_wait3A_560 = arith.constant 0 : i32
    %dma_wait3A_561 = arith.constant 0 : i32
    %dma_wait3A_562 = tpu.memref_slice %arg4[%dma_wait3A_559, %dma_wait3A_560, %dma_wait3A_561] : memref<16384x200x64xf32, #tpu.memory_space<hbm>> -> memref<2x200x64xf32, #tpu.memory_space<hbm>>
    %dma_wait3A_563 = arith.constant 0 : i32
    %dma_wait3A_564 = arith.constant 0 : i32
    %dma_wait3A_565 = arith.constant 0 : i32
    %dma_wait3A_566 = tpu.memref_slice %arg4[%dma_wait3A_563, %dma_wait3A_564, %dma_wait3A_565] : memref<16384x200x64xf32, #tpu.memory_space<hbm>> -> memref<2x200x64xf32, #tpu.memory_space<hbm>>
    %dma_wait3A_567 = arith.constant 0 : i32
    %dma_wait3A_568 = arith.constant 0 : i32
    %dma_wait3A_569 = arith.constant 0 : i32
    %dma_wait3A_570 = tpu.memref_slice %arg6[%dma_wait3A_553, %dma_wait3A_567, %dma_wait3A_568, %dma_wait3A_569] : memref<2x2x200x64xf32, #tpu.memory_space<vmem>> -> memref<1x2x200x64xf32, #tpu.memory_space<vmem>>
    %dma_wait3A_571 = tpu.memref_squeeze %dma_wait3A_570 : memref<1x2x200x64xf32, #tpu.memory_space<vmem>> -> memref<2x200x64xf32, #tpu.memory_space<vmem>>
    tpu.wait_dma2 semaphore(%arg13 : memref<!tpu.dma_semaphore, #tpu.memory_space<semaphore_mem>>) src(%dma_wait3A_571 : memref<2x200x64xf32, #tpu.memory_space<vmem>>) dst(%dma_wait3A_566 : memref<2x200x64xf32, #tpu.memory_space<hbm>>)
    %dma_wait3A_572 = arith.constant 1 : i32
    %dma_wait3A_573 = arith.constant 0 : i32
    %dma_wait3A_574 = arith.constant 0 : i32
    %dma_wait3A_575 = tpu.memref_slice %arg5[%dma_wait3A_572, %dma_wait3A_573, %dma_wait3A_574] : memref<2x2x200xi32, #tpu.memory_space<vmem>> -> memref<1x2x200xi32, #tpu.memory_space<vmem>>
    %dma_wait3A_576 = tpu.memref_squeeze %dma_wait3A_575 : memref<1x2x200xi32, #tpu.memory_space<vmem>> -> memref<2x200xi32, #tpu.memory_space<vmem>>
    %dma_wait3A_577 = arith.constant 0 : i32
    %dma_wait3A_578 = arith.constant 0 : i32
    %dma_wait3A_579 = tpu.memref_slice %arg2[%dma_wait3A_577, %dma_wait3A_578] : memref<16384x200xi32, #tpu.memory_space<hbm>> -> memref<2x200xi32, #tpu.memory_space<hbm>>
    %dma_wait3A_580 = arith.constant 0 : i32
    %dma_wait3A_581 = arith.constant 0 : i32
    %dma_wait3A_582 = tpu.memref_slice %arg5[%dma_wait3A_572, %dma_wait3A_580, %dma_wait3A_581] : memref<2x2x200xi32, #tpu.memory_space<vmem>> -> memref<1x2x200xi32, #tpu.memory_space<vmem>>
    %dma_wait3A_583 = tpu.memref_squeeze %dma_wait3A_582 : memref<1x2x200xi32, #tpu.memory_space<vmem>> -> memref<2x200xi32, #tpu.memory_space<vmem>>
    %dma_wait3A_584 = arith.constant 0 : i32
    %dma_wait3A_585 = arith.constant 0 : i32
    %dma_wait3A_586 = tpu.memref_slice %arg2[%dma_wait3A_584, %dma_wait3A_585] : memref<16384x200xi32, #tpu.memory_space<hbm>> -> memref<2x200xi32, #tpu.memory_space<hbm>>
    tpu.wait_dma2 semaphore(%arg9 : memref<!tpu.dma_semaphore, #tpu.memory_space<semaphore_mem>>) src(%dma_wait3A_586 : memref<2x200xi32, #tpu.memory_space<hbm>>) dst(%dma_wait3A_583 : memref<2x200xi32, #tpu.memory_space<vmem>>)
    return
  }
}

</mosaic_0001>

<sc_bundles>
// kernel: _gather_rows.3.cloned.1.call-start
scs
__scs_entry_jumppad:
0x0: {  	(pc) =	sbr.rel $0x88, $3  }
0x1: {  	(tag) =	ssettag $0x0;
	lr =	simm.s32 $0x1  }
0x2: {  	[smem:$0x3F9F] =	sst lr;
	_ =	strace $0xD0000000  }
0x3: {  	_ = 	snop  }
0x4: {  	_ = 	snop  }
0x5: {  	_ = 	snop  }
0x6: {  	_ = 	snop  }
0x7: {  	_ = 	snop  }
__scs_overlays_trampoline_lowered:
0x8: {  	[smem:$0x3FAE] =	sst s0  }
0x9: {  	[smem:$0x3FAF] =	sst s1  }
0xa: {  	[smem:$0x3FB0] =	sst s2  }
0xb: {  	[smem:$0x3FB1] =	sst s3  }
0xc: {  	[smem:$0x3FB2] =	sst s4  }
0xd: {  	[smem:$0x3FB3] =	sst s5  }
0xe: {  	[smem:$0x3FB4] =	sst s6  }
0xf: {  	[smem:$0x3FB5] =	sst s7  }
0x10: {  	[smem:$0x3FB6] =	sst s8  }
0x11: {  	[smem:$0x3FB7] =	sst s9;
	s0 =	simm.s32 @!p0 $0x0  }
0x12: {  	s1 =	sld [smem:$0x3F9D];
	s0 =	simm.s32 @p0 $0x1  }
0x13: {  	[smem:$0x3FB8] =	sst s0;
	s0 =	simm.s32 @!p1 $0x0  }
0x14: {  	s2 =	sld [smem:$0x3F9C];
	s0 =	simm.s32 @p1 $0x1  }
0x15: {  	[smem:$0x3FB9] =	sst s0;
	s0 =	simm.s32 @!p2 $0x0  }
0x16: {  	s3 =	sld [smem:$0x3FDB];
	s0 =	simm.s32 @p2 $0x1  }
0x17: {  	s4 =	simm.s32 $0x1BF5;
	[smem:$0x3FBB] =	sst s0  }
0x18: {  	s0 =	sld [smem:$0x3F9E];
	_ =	swait.ge [sflag:s4], $0x0  }
0x19: {  	s7 =	sld [smem:$0x3F9F]  }
0x1a: {  	s8 =	sadd.s32 $0xFFFFE003, lr  }
0x1b: {  	s9 =	sadd.s32 $0xFFFFFEF7, lr;
	s5 =	simm.s32 $0xFFFFFFFF;
	p2 =	slt.u32 s8, $0xFFFFF086  }
0x1c: {  	p1 =	slt.u32 s9, $0xF7A;
	s5 =	simm.s32 @!p2 $0x0  }
0x1d: {  	s5 =	simm.s32 @p1 $0x1;
	p0 =	seq.s32 s7, s2  }
0x1e: {  	s7 =	smul.u32 @!p0 $0xF7A, s2;
	p2 =	seq.s32 @!p0 s5, $0x0  }
0x1f: {  	s9 =	smul.u32 $0xF7A, s1;
	s8 =	simm.s32 @!p0 $0x1BF5;
	p2 =	por !p2, p0  }
0x20: {  	[sflag:s8] =	ssyncset.s32 @!p0 $0xFFFFF086;
	s6 =	sadd.s32 @!p0 s3, s7;
	s7 =	simm.s32 @!p0 $0x108  }
0x21: {  	s3 =	sadd.s32 s3, s9;
	s6 =	sadd.s32 @!p0 $0x88, s6;
	s7 =	simm.s32 @p2 $0x1082  }
0x22: {  	[simem:s7], [sflag:s8] =	dma.local @!p0 [hbm:s6], $0xF7A  }
0x23: {  	s9 =	sor.u32 $0xD0000000, s2;
	s6 =	simm.s32 $0x108;
	_ =	swait.ge @!p0 [sflag:s8], $0x0  }
0x24: {  	s3 =	sadd.s32 $0x88, s3;
	s6 =	simm.s32 @!p1 $0x1082;
	[sflag:s4] =	ssyncset.s32 $0xFFFFF086  }
0x25: {  	[simem:s6], [sflag:s4] =	dma.local [hbm:s3], $0xF7A  }
0x26: {  	[smem:$0x3F9F] =	sst s1;
	(tag) =	ssettag s2;
	_ =	strace s9  }
0x27: {  	s1 =	sld [smem:$0x3FAF]  }
0x28: {  	s2 =	sld [smem:$0x3FB0]  }
0x29: {  	s4 =	sld [smem:$0x3FB2]  }
0x2a: {  	p0 =	seq.s32 s5, $0x0;
	s5 =	sld [smem:$0x3FB3]  }
0x2b: {  	s6 =	sld [smem:$0x3FB4]  }
0x2c: {  	s7 =	sld [smem:$0x3FB5]  }
0x2d: {  	s3 =	simm.s32 $0x108;
	s8 =	sld [smem:$0x3FB6]  }
0x2e: {  	s3 =	simm.s32 @!p0 $0x1082;
	s9 =	sld [smem:$0x3FB7]  }
0x2f: {  	lr =	sadd.s32 s0, s3;
	s0 =	sld [smem:$0x3FAE]  }
0x30: {  	s3 =	sld [smem:$0x3FB1]  }
0x31: {  	[smem:$0x3FBA] =	sst s10  }
0x32: {  	s10 =	sld [smem:$0x3FB8];
	_ =	sdelay $0x3  }
0x33: {  	p0 =	seq.s32 s10, $0x1;
	s10 =	sld [smem:$0x3FBA];
	_ =	sdelay $0x3  }
0x34: {  	[smem:$0x3FBA] =	sst s10  }
0x35: {  	s10 =	sld [smem:$0x3FB9];
	_ =	sdelay $0x3  }
0x36: {  	p1 =	seq.s32 s10, $0x1;
	s10 =	sld [smem:$0x3FBA];
	_ =	sdelay $0x3  }
0x37: {  	[smem:$0x3FBA] =	sst s10  }
0x38: {  	s10 =	sld [smem:$0x3FBB]  }
0x39: {  	_ = 	snop;
	(pc) =	sbr.ind lr, $3  }
0x3a: {  	_ = 	snop  }
0x3b: {  	_ = 	snop  }
0x3c: {  	p2 =	seq.s32 s10, $0x1;
	s10 =	sld [smem:$0x3FBA]  }
0x3d: {  	_ =	shalt  }
0x3e: {  	_ =	shalt  }
0x3f: {  	_ =	shalt  }
0x40: {  	_ =	shalt  }
0x41: {  	_ =	shalt  }
0x42: {  	_ =	shalt  }
0x43: {  	_ =	shalt  }
0x44: {  	_ =	shalt  }
0x45: {  	_ =	shalt  }
0x46: {  	_ =	shalt  }
0x47: {  	_ =	shalt  }
0x48: {  	_ =	shalt  }
0x49: {  	_ =	shalt  }
0x4a: {  	_ =	shalt  }
0x4b: {  	_ =	shalt  }
0x4c: {  	_ =	shalt  }
0x4d: {  	_ =	shalt  }
0x4e: {  	_ =	shalt  }
0x4f: {  	_ =	shalt  }
0x50: {  	_ =	shalt  }
0x51: {  	_ =	shalt  }
0x52: {  	_ =	shalt  }
0x53: {  	_ =	shalt  }
0x54: {  	_ =	shalt  }
0x55: {  	_ =	shalt  }
0x56: {  	_ =	shalt  }
0x57: {  	_ =	shalt  }
0x58: {  	_ =	shalt  }
0x59: {  	_ =	shalt  }
0x5a: {  	_ =	shalt  }
0x5b: {  	_ =	shalt  }
0x5c: {  	_ =	shalt  }
0x5d: {  	_ =	shalt  }
0x5e: {  	_ =	shalt  }
0x5f: {  	_ =	shalt  }
0x60: {  	_ =	shalt  }
0x61: {  	_ =	shalt  }
0x62: {  	_ =	shalt  }
0x63: {  	_ =	shalt  }
0x64: {  	_ =	shalt  }
0x65: {  	_ =	shalt  }
0x66: {  	_ =	shalt  }
0x67: {  	_ =	shalt  }
0x68: {  	_ =	shalt  }
0x69: {  	_ =	shalt  }
0x6a: {  	_ =	shalt  }
0x6b: {  	_ =	shalt  }
0x6c: {  	_ =	shalt  }
0x6d: {  	_ =	shalt  }
0x6e: {  	_ =	shalt  }
0x6f: {  	_ =	shalt  }
0x70: {  	_ =	shalt  }
0x71: {  	_ =	shalt  }
0x72: {  	_ =	shalt  }
0x73: {  	_ =	shalt  }
0x74: {  	_ =	shalt  }
0x75: {  	_ =	shalt  }
0x76: {  	_ =	shalt  }
0x77: {  	_ =	shalt  }
0x78: {  	_ =	shalt  }
0x79: {  	_ =	shalt  }
0x7a: {  	_ =	shalt  }
0x7b: {  	_ =	shalt  }
0x7c: {  	_ =	shalt  }
0x7d: {  	_ =	shalt  }
0x7e: {  	_ =	shalt  }
0x7f: {  	_ =	shalt  }
0x80: {  	_ =	shalt  }
0x81: {  	_ =	shalt  }
0x82: {  	_ =	shalt  }
0x83: {  	_ =	shalt  }
0x84: {  	_ =	shalt  }
0x85: {  	_ =	shalt  }
0x86: {  	_ =	shalt  }
0x87: {  	_ =	shalt  }
.Lfunc_end0:
.L_simem_size_0:
called_computation.1_lowered:
.L_overlay_start_0:
0x88: {  	s2 =	sld [smem:$0x3FD9]  }
0x89: {  	s3 =	sld [smem:$0x3FFE];
	_ =	sdelay $0x1  }
0x8a: {  	s1 =	srdreg.scid  }
0x8b: {  	s0 =	sand.u32 $0x1, s1  }
0x8c: {  	s17 =	sshll.u32 s0, $0xA;
	s2 =	sadd.s32 s3, s2  }
0x8d: {  	s2 =	sadd.s32 s2, s17  }
0x8e: {  	[smem:$0x3FC6] =	sst s2  }
0x8f: {  	_ = 	snop  }
0x90: {  	s2 =	sld [smem:$0x3FD0];
	(tm) =	ssettm $0x1  }
0x91: {  	s18 =	sld [smem:$0x3FFB];
	_ =	sdelay $0x3  }
0x92: {  	_ =	strace s18  }
0x93: {  	s3 =	sld [smem:$0x3FFC];
	_ =	sdelay $0x3  }
0x94: {  	_ =	strace s3  }
0x95: {  	s3 =	sld [smem:$0x3FFD];
	_ =	sdelay $0x3  }
0x96: {  	_ =	strace s3  }
0x97: {  	_ =	strace $0x8FFFFFFF  }
0x98: {  	s19 =	sld [smem:$0x3FDB];
	_ =	sdelay $0x1  }
0x99: {  	s4 =	simm.s32 $_scs_section_size  }
0x9a: {  	s5 =	simm.s32 $_size__tile_overlayer_lowered;
	s6 =	simm.s32 $_tile_overlayer_lowered  }
0x9b: {  	s22 =	simm.s32 $0x1BFF;
	s21 =	sshll.u32 s6, $0x1;
	s3 =	sadd.s32 s4, s19  }
0x9c: {  	s7 =	simm.s32 $0x0;
	s20 =	sshll.u32 s5, $0x1;
	s5 =	sadd.s32 s21, s3  }
0x9d: {  	[timem:s7], [sflag:s22] =	dma.local [hbm:s5], s20  }
0x9e: {  	_ =	swait.ge [sflag:s22], s20  }
0x9f: {  	s4 =	ssub.s32 $0x0, s20;
	[sflag:s22] =	ssyncset.done $0x0  }
0xa0: {  	[sflag:s22] =	ssyncadd.s32 s4;
	_ =	sdelay $0x1  }
0xa1: {  	s23 =	simm.s32 $0x1B8B  }
0xa2: {  	_ =	swait.ge [sflag:s23], $0x1  }
0xa3: {  	[sflag:s23] =	ssyncset.done $0x0  }
0xa4: {  	s25 =	simm.s32 $0x1B8E;
	s24 =	sld [smem:$0x3FFE];
	[sflag:s23] =	ssyncadd.s32 $0xFFFFFFFF  }
0xa5: {  	s26 =	simm.s32 $execute0_lowered;
	[smem:$0x3FD2] =	sst s25  }
0xa6: {  	s5 =	sshll.u32 s26, $0x1;
	_ =	strace $0x80000046;
	[dreg:$0x1] =	wrdreg $0xFFFFFFFF  }
0xa7: {  	s28 =	simm.s32 $_size_execute0_lowered;
	s3 =	sadd.s32 s3, s5;
	[dreg:$0x0] =	wrdreg $0x0  }
0xa8: {  	s5 =	sshll.u32 s28, $0x1;
	[dreg:$0x2] =	wrdreg s3  }
0xa9: {  	[dreg:$0x3] =	wrdreg s5  }
0xaa: {  	[dreg:$0x4] =	wrdreg $0xC0  }
0xab: {  	_ =	task [dreg:s7], $0x5FFFF  }
0xac: {  	[dreg:$0x1] =	wrdreg $0xFFFFFFFF  }
0xad: {  	[dreg:$0x0] =	wrdreg $0x60  }
0xae: {  	[dreg:$0x2] =	wrdreg s24  }
0xaf: {  	[dreg:$0x3] =	wrdreg s2  }
0xb0: {  	[dreg:$0x4] =	wrdreg $0xCB200  }
0xb1: {  	[dreg:$0x5] =	wrdreg $0x9  }
0xb2: {  	_ =	task.clear_ibuf [dreg:s7], $0x6FFFF;
	_ =	strace $0x90000046  }
0xb3: {  	s29 =	simm.s32 $0x9;
	_ =	strace $0x80000048  }
0xb4: {  	_ =	swait.ge [sflag:s29], $0x1  }
0xb5: {  	[sflag:s29] =	ssyncadd.s32 $0xFFFFFFFF  }
0xb6: {  	_ =	strace $0x90000048  }
0xb7: {  	_ =	sfence  }
0xb8: {  	s30 =	sld [smem:$0x0];
	_ =	sdelay $0x2  }
0xb9: {  	s31 =	sshll.u32 s1, $0xD;
	s1 =	sshrl.u32 s1, $0x2  }
0xba: {  	s3 =	sand.u32 $0x4000, s31;
	s1 =	sadd.s32 s1, s30  }
0xbb: {  	s0 =	sor.u32 s3, s0;
	s1 =	sshll.u32 s1, $0x11  }
0xbc: {  	s0 =	sor.u32 s1, s0  }
0xbd: {  	s0 =	sadd.s32 $0x8F2B, s0  }
0xbe: {  	[sflag:s0] =	ssyncadd.remote.s32 $0x1  }
0xbf: {  	_ =	sfence.sel $0xFFFF  }
0xc0: {  	[dreg:$0x0] =	wrdreg $0xFFFFFFFF;
	(pc) =	sbr.abs _section_cstart, $3  }
0xc1: {  	[dreg:$0x1] =	wrdreg $0xFFFFFFFF  }
0xc2: {  	_ =	task.clear_ibuf [dreg:s7], $0x2FFFF;
	_ =	strace $0x9FFFFFFF  }
0xc3: {  	(tm) =	ssettm $0x7FFFFFFF  }
tec
execute0_lowered:
.L_overlay_start_1:
0x0: {  	(tag) =	ssettag $0x1  }
0x1: {  	s0 =	rddreg [dreg:$0x0]  }
0x2: {  	s4 =	rddreg [dreg:$0x1]  }
0x3: {  	s1 =	rddreg [dreg:$0x2];
	s3 =	srdreg.scid  }
0x4: {  	s2 =	simm.s32 $0x0;
	s6 =	stileid.u32;
	s28 =	simm.s32 $0x8720  }
0x5: {  	s29 =	simm.s32 $0x258;
	s30 =	simm.s32 $0x9920;
	s31 =	simm.s32 $0x2D8  }
0x6: {  	s7 =	sand.u32 $0x1, s3;
	[smem:$0x7FF] =	sst s2;
	s14 =	sshll.u32 s6, $0xA  }
0x7: {  	s3 =	sadd.s32 $0x10800, s0;
	s0 =	sadd.s32 $0x800, s0;
	s23 =	smul.u32 $0x190000, s6  }
0x8: {  	p0 =	sne.s32 s6, $0x0;
	s6 =	simm.s32 $0x5;
	s5 =	sshll.u32 s7, $0x9  }
0x9: {  	_ =	strace $0x80000047;
	s15 =	ssub.s32 $0x2, s7;
	[dreg:$0x6] =	wrdreg s0  }
0xa: {  	s7 =	smul.u32 $0xC8000, s7;
	s8 =	sor.u32 s5, s14;
	s11 =	sshrl.u32 s15, $0x1  }
0xb: {  	s14 =	simm.s32 $0x190;
	s9 =	smul.u32 $0x19, s8;
	s10 =	sor.u32 $0x2, s8  }
0xc: {  	s16 =	ssub.s32 s15, s11;
	s17 =	smul.u32 $0x640, s8;
	s24 =	sor.u32 $0x4, s8  }
0xd: {  	s8 =	sor.u32 $0x6, s8;
	s15 =	simm.s32 $0x1;
	s12 =	smul.u32 $0x19, s10  }
0xe: {  	s20 =	smul.u32 $0x640, s10;
	[dreg:$0x4] =	wrdreg s24;
	s10 =	sadd.s32 s23, s4  }
0xf: {  	[dreg:$0x5] =	wrdreg s8;
	s0 =	smax.u32 s16, $0x1;
	s16 =	simm.s32 $0x80  }
0x10: {  	s23 =	simm.s32 $0x5520;
	s24 =	simm.s32 $0x3;
	s8 =	simm.s32 $0x2  }
0x11: {  	s18 =	sadd.s32 s3, s9;
	s22 =	sadd.s32 s4, s17;
	[dreg:$0xd] =	wrdreg s0  }
0x12: {  	s25 =	sadd.s32 s7, s10;
	s0 =	sshrl.u32 @!p0 s1, $0x3;
	[dreg:$0xa] =	wrdreg s22  }
0x13: {  	s17 =	simm.s32 $0x320;
	s7 =	simm.s32 $0x6;
	[dreg:$0x7] =	wrdreg s18  }
0x14: {  	s9 =	simm.s32 $0x0;
	s19 =	sadd.s32 s3, s12;
	[dreg:$0xf] =	wrdreg s0  }
0x15: {  	s21 =	sadd.s32 $0x64, s18;
	s5 =	sadd.s32 $0x96, s18;
	[dreg:$0x8] =	wrdreg s19  }
0x16: {  	s4 =	sadd.s32 s4, s20;
	s26 =	sadd.s32 $0x1900, s25;
	[dreg:$0x9] =	wrdreg s21  }
0x17: {  	s18 =	simm.s32 $0x48;
	s20 =	simm.s32 $0xC8;
	[dreg:$0xb] =	wrdreg s5  }
0x18: {  	s22 =	simm.s32 $0x148;
	s25 =	simm.s32 $0x6720;
	[dreg:$0xc] =	wrdreg s4  }
0x19: {  	s0 =	simm.s32 $0xB920;
	[dreg:$0xe] =	wrdreg s26;
	s19 =	simm.s32 $0x2320  }
0x1a: {  	s21 =	simm.s32 $0x3520;
	s26 =	simm.s32 $0x210;
	s4 =	simm.s32 $0x4  }
.LBB2_1:
0x1b: {  	s5 =	rddreg [dreg:$0x6]  }
0x1c: {  	s10 =	simm.s32 @!p0 $0x1C07;
	s11 =	rddreg [dreg:$0xf]  }
0x1d: {  	[spmem:s11], [sflag:s10] =	dma.local @!p0 [hbm:s5], $0x10000  }
0x1e: {  	s10 =	simm.s32 @!p0 $0x7  }
0x1f: {  	_ =	swait.ge @!p0 [sflag:s10], $0x10000  }
0x20: {  	[sflag:s10] =	ssyncset.done @!p0 $0x0  }
0x21: {  	[sflag:s10] =	ssyncadd.s32 @!p0 $0xFFFF0000  }
0x22: {  	[bflag:$0x0] =	sbarrier.arrive $0xFFFF  }
0x23: {  	s11 =	rddreg [dreg:$0x7]  }
0x24: {  	[tilespmem:s2], [sflag:$0x1] =	stream.linear.gather [hbm4b:s11+s2], $0x190, $0x38;
	[tilespmem:$0x14B20] =	vst v63  }
0x25: {  	s12 =	rddreg [dreg:$0x8]  }
0x26: {  	[tilespmem:s14], [sflag:$0x2] =	stream.linear.gather [hbm4b:s12+s2], $0x190, $0x38;
	[tilespmem:$0x14B20] =	vst v63  }
0x27: {  	_ =	swait.ge [sflag:s15], $0x190  }
0x28: {  	[sflag:s15] =	ssyncset.done $0x0  }
0x29: {  	[sflag:s15] =	ssyncadd.s32 $0xFFFFFE70  }
0x2a: {  	[tilespmem:s17], [sflag:$0x3] =	stream.indirect.gather [spmem:s1], $0x40, s2, s16, $0xb8;
	[tilespmem:$0x14B20] =	vst v63  }
0x2b: {  	_ = 	snop  }
0x2c: {  	[tilespmem:s19], [sflag:$0x3] =	stream.indirect.gather [spmem:s1], $0x40, s16, s18, $0xb8;
	[tilespmem:$0x14B20] =	vst v63  }
0x2d: {  	_ = 	snop  }
0x2e: {  	[tilespmem:s21], [sflag:$0x3] =	stream.indirect.gather [spmem:s1], $0x40, s20, s16, $0xb8;
	[tilespmem:$0x14B20] =	vst v63  }
0x2f: {  	_ = 	snop  }
0x30: {  	[tilespmem:s23], [sflag:$0x3] =	stream.indirect.gather [spmem:s1], $0x40, s22, s18, $0xb8;
	[tilespmem:$0x14B20] =	vst v63  }
0x31: {  	_ =	swait.ge [sflag:s24], $0x2000  }
0x32: {  	[sflag:s24] =	ssyncset.done $0x0  }
0x33: {  	[sflag:s24] =	ssyncadd.s32 $0xFFFFE000  }
0x34: {  	_ =	swait.ge [sflag:s24], $0x1200  }
0x35: {  	[sflag:s24] =	ssyncset.done $0x0  }
0x36: {  	[sflag:s24] =	ssyncadd.s32 $0xFFFFEE00  }
0x37: {  	_ =	swait.ge [sflag:s24], $0x2000  }
0x38: {  	[sflag:s24] =	ssyncset.done $0x0  }
0x39: {  	[sflag:s24] =	ssyncadd.s32 $0xFFFFE000  }
0x3a: {  	_ =	swait.ge [sflag:s24], $0x1200  }
0x3b: {  	[sflag:s24] =	ssyncset.done $0x0  }
0x3c: {  	s13 =	rddreg [dreg:$0x9];
	[sflag:s24] =	ssyncadd.s32 $0xFFFFEE00  }
0x3d: {  	[tilespmem:s2], [sflag:$0x1] =	stream.linear.gather [hbm4b:s13+s2], $0x190, $0x38;
	[tilespmem:$0x14B20] =	vst v63  }
0x3e: {  	s10 =	rddreg [dreg:$0xa]  }
0x3f: {  	[hbm4b:s10+s2] =	stream.linear.scatter [tilespmem:s17], [sflag:$0x5], $0x6400, $0x38;
	[tilespmem:$0x14B20] =	vst v63  }
0x40: {  	_ =	swait.ge [sflag:s8], $0x190  }
0x41: {  	[sflag:s8] =	ssyncset.done $0x0  }
0x42: {  	[sflag:s8] =	ssyncadd.s32 $0xFFFFFE70  }
0x43: {  	[tilespmem:s25], [sflag:$0x4] =	stream.indirect.gather [spmem:s1], $0x40, s14, s16, $0xb8;
	[tilespmem:$0x14B20] =	vst v63  }
0x44: {  	_ = 	snop  }
0x45: {  	[tilespmem:s28], [sflag:$0x4] =	stream.indirect.gather [spmem:s1], $0x40, s26, s18, $0xb8;
	[tilespmem:$0x14B20] =	vst v63  }
0x46: {  	_ = 	snop  }
0x47: {  	[tilespmem:s30], [sflag:$0x4] =	stream.indirect.gather [spmem:s1], $0x40, s29, s16, $0xb8;
	[tilespmem:$0x14B20] =	vst v63  }
0x48: {  	_ = 	snop  }
0x49: {  	[tilespmem:s0], [sflag:$0x4] =	stream.indirect.gather [spmem:s1], $0x40, s31, s18, $0xb8;
	[tilespmem:$0x14B20] =	vst v63  }
0x4a: {  	_ =	swait.ge [sflag:s4], $0x2000  }
0x4b: {  	[sflag:s4] =	ssyncset.done $0x0  }
0x4c: {  	[sflag:s4] =	ssyncadd.s32 $0xFFFFE000  }
0x4d: {  	_ =	swait.ge [sflag:s4], $0x1200  }
0x4e: {  	[sflag:s4] =	ssyncset.done $0x0  }
0x4f: {  	[sflag:s4] =	ssyncadd.s32 $0xFFFFEE00  }
0x50: {  	_ =	swait.ge [sflag:s4], $0x2000  }
0x51: {  	[sflag:s4] =	ssyncset.done $0x0  }
0x52: {  	[sflag:s4] =	ssyncadd.s32 $0xFFFFE000  }
0x53: {  	_ =	swait.ge [sflag:s4], $0x1200  }
0x54: {  	[sflag:s4] =	ssyncset.done $0x0  }
0x55: {  	s11 =	rddreg [dreg:$0xb];
	[sflag:s4] =	ssyncadd.s32 $0xFFFFEE00  }
0x56: {  	[tilespmem:s14], [sflag:$0x2] =	stream.linear.gather [hbm4b:s11+s2], $0x190, $0x38;
	[tilespmem:$0x14B20] =	vst v63  }
0x57: {  	s12 =	rddreg [dreg:$0xc]  }
0x58: {  	[hbm4b:s12+s2] =	stream.linear.scatter [tilespmem:s25], [sflag:$0x6], $0x6400, $0x38;
	[tilespmem:$0x14B20] =	vst v63  }
0x59: {  	_ =	swait.ge [sflag:s6], $0x6400  }
0x5a: {  	[sflag:s6] =	ssyncset.done $0x0  }
0x5b: {  	[sflag:s6] =	ssyncadd.s32 $0xFFFF9C00  }
0x5c: {  	_ =	swait.ge [sflag:s15], $0x190  }
0x5d: {  	[sflag:s15] =	ssyncset.done $0x0  }
0x5e: {  	[sflag:s15] =	ssyncadd.s32 $0xFFFFFE70  }
0x5f: {  	[tilespmem:s17], [sflag:$0x3] =	stream.indirect.gather [spmem:s1], $0x40, s2, s16, $0xb8;
	[tilespmem:$0x14B20] =	vst v63  }
0x60: {  	_ = 	snop  }
0x61: {  	[tilespmem:s19], [sflag:$0x3] =	stream.indirect.gather [spmem:s1], $0x40, s16, s18, $0xb8;
	[tilespmem:$0x14B20] =	vst v63  }
0x62: {  	_ = 	snop  }
0x63: {  	[tilespmem:s21], [sflag:$0x3] =	stream.indirect.gather [spmem:s1], $0x40, s20, s16, $0xb8;
	[tilespmem:$0x14B20] =	vst v63  }
0x64: {  	_ = 	snop  }
0x65: {  	[tilespmem:s23], [sflag:$0x3] =	stream.indirect.gather [spmem:s1], $0x40, s22, s18, $0xb8;
	[tilespmem:$0x14B20] =	vst v63  }
0x66: {  	_ =	swait.ge [sflag:s24], $0x2000  }
0x67: {  	[sflag:s24] =	ssyncset.done $0x0  }
0x68: {  	[sflag:s24] =	ssyncadd.s32 $0xFFFFE000  }
0x69: {  	_ =	swait.ge [sflag:s24], $0x1200  }
0x6a: {  	[sflag:s24] =	ssyncset.done $0x0  }
0x6b: {  	[sflag:s24] =	ssyncadd.s32 $0xFFFFEE00  }
0x6c: {  	_ =	swait.ge [sflag:s24], $0x2000  }
0x6d: {  	[sflag:s24] =	ssyncset.done $0x0  }
0x6e: {  	[sflag:s24] =	ssyncadd.s32 $0xFFFFE000  }
0x6f: {  	s5 =	smin.u32 s8, $0xFD;
	_ =	swait.ge [sflag:s24], $0x1200  }
0x70: {  	s11 =	sshll.u32 s5, $0x1;
	s13 =	rddreg [dreg:$0x4]  }
0x71: {  	s10 =	sadd.s32 s11, s13  }
0x72: {  	s10 =	smul.u32 $0x19, s10  }
0x73: {  	[sflag:s24] =	ssyncset.done $0x0  }
0x74: {  	[sflag:s24] =	ssyncadd.s32 $0xFFFFEE00;
	s10 =	sadd.s32 s3, s10  }
0x75: {  	[tilespmem:s2], [sflag:$0x1] =	stream.linear.gather [hbm4b:s10+s2], $0x190, $0x38;
	[tilespmem:$0x14B20] =	vst v63  }
0x76: {  	s5 =	rddreg [dreg:$0xe]  }
0x77: {  	[hbm4b:s5+s2] =	stream.linear.scatter [tilespmem:s17], [sflag:$0x5], $0x6400, $0x38;
	[tilespmem:$0x14B20] =	vst v63  }
0x78: {  	_ =	swait.ge [sflag:s7], $0x6400  }
0x79: {  	[sflag:s7] =	ssyncset.done $0x0  }
0x7a: {  	[sflag:s7] =	ssyncadd.s32 $0xFFFF9C00  }
0x7b: {  	_ =	swait.ge [sflag:s8], $0x190  }
0x7c: {  	[sflag:s8] =	ssyncset.done $0x0  }
0x7d: {  	[sflag:s8] =	ssyncadd.s32 $0xFFFFFE70  }
0x7e: {  	[tilespmem:s25], [sflag:$0x4] =	stream.indirect.gather [spmem:s1], $0x40, s14, s16, $0xb8;
	[tilespmem:$0x14B20] =	vst v63  }
0x7f: {  	_ = 	snop  }
0x80: {  	[tilespmem:s28], [sflag:$0x4] =	stream.indirect.gather [spmem:s1], $0x40, s26, s18, $0xb8;
	[tilespmem:$0x14B20] =	vst v63  }
0x81: {  	_ = 	snop  }
0x82: {  	[tilespmem:s30], [sflag:$0x4] =	stream.indirect.gather [spmem:s1], $0x40, s29, s16, $0xb8;
	[tilespmem:$0x14B20] =	vst v63  }
0x83: {  	_ = 	snop  }
0x84: {  	[tilespmem:s0], [sflag:$0x4] =	stream.indirect.gather [spmem:s1], $0x40, s31, s18, $0xb8;
	[tilespmem:$0x14B20] =	vst v63  }
0x85: {  	_ =	swait.ge [sflag:s4], $0x2000  }
0x86: {  	[sflag:s4] =	ssyncset.done $0x0  }
0x87: {  	[sflag:s4] =	ssyncadd.s32 $0xFFFFE000  }
0x88: {  	_ =	swait.ge [sflag:s4], $0x1200  }
0x89: {  	[sflag:s4] =	ssyncset.done $0x0  }
0x8a: {  	[sflag:s4] =	ssyncadd.s32 $0xFFFFEE00  }
0x8b: {  	_ =	swait.ge [sflag:s4], $0x2000  }
0x8c: {  	[sflag:s4] =	ssyncset.done $0x0  }
0x8d: {  	[sflag:s4] =	ssyncadd.s32 $0xFFFFE000  }
0x8e: {  	s13 =	smin.u32 s8, $0xFC;
	_ =	swait.ge [sflag:s4], $0x1200  }
0x8f: {  	s11 =	sshll.u32 s13, $0x1;
	s12 =	rddreg [dreg:$0x5]  }
0x90: {  	s10 =	sadd.s32 s11, s12  }
0x91: {  	s10 =	smul.u32 $0x19, s10  }
0x92: {  	[sflag:s4] =	ssyncset.done $0x0  }
0x93: {  	[sflag:s4] =	ssyncadd.s32 $0xFFFFEE00;
	s10 =	sadd.s32 s3, s10  }
0x94: {  	[tilespmem:s14], [sflag:$0x2] =	stream.linear.gather [hbm4b:s10+s2], $0x190, $0x38;
	[tilespmem:$0x14B20] =	vst v63  }
0x95: {  	s13 =	sadd.s32 $0xC80, s5;
	s11 =	sadd.s32 $0x1900, s5;
	s10 =	simm.s32 $0x4  }
.LBB2_2:
0x96: {  	[hbm4b:s13+s2] =	stream.linear.scatter [tilespmem:s25], [sflag:$0x6], $0x6400, $0x38;
	[tilespmem:$0x14B20] =	vst v63  }
0x97: {  	_ =	swait.ge [sflag:s6], $0x6400  }
0x98: {  	[sflag:s6] =	ssyncset.done $0x0  }
0x99: {  	[sflag:s6] =	ssyncadd.s32 $0xFFFF9C00  }
0x9a: {  	_ =	swait.ge [sflag:s15], $0x190  }
0x9b: {  	[sflag:s15] =	ssyncset.done $0x0  }
0x9c: {  	[sflag:s15] =	ssyncadd.s32 $0xFFFFFE70  }
0x9d: {  	[tilespmem:s17], [sflag:$0x3] =	stream.indirect.gather [spmem:s1], $0x40, s2, s16, $0xb8;
	[tilespmem:$0x14B20] =	vst v63  }
0x9e: {  	_ = 	snop  }
0x9f: {  	[tilespmem:s19], [sflag:$0x3] =	stream.indirect.gather [spmem:s1], $0x40, s16, s18, $0xb8;
	[tilespmem:$0x14B20] =	vst v63  }
0xa0: {  	_ = 	snop  }
0xa1: {  	[tilespmem:s21], [sflag:$0x3] =	stream.indirect.gather [spmem:s1], $0x40, s20, s16, $0xb8;
	[tilespmem:$0x14B20] =	vst v63  }
0xa2: {  	_ = 	snop  }
0xa3: {  	[tilespmem:s23], [sflag:$0x3] =	stream.indirect.gather [spmem:s1], $0x40, s22, s18, $0xb8;
	[tilespmem:$0x14B20] =	vst v63  }
0xa4: {  	_ =	swait.ge [sflag:s24], $0x2000  }
0xa5: {  	[sflag:s24] =	ssyncset.done $0x0  }
0xa6: {  	[sflag:s24] =	ssyncadd.s32 $0xFFFFE000  }
0xa7: {  	_ =	swait.ge [sflag:s24], $0x1200  }
0xa8: {  	[sflag:s24] =	ssyncset.done $0x0  }
0xa9: {  	[sflag:s24] =	ssyncadd.s32 $0xFFFFEE00  }
0xaa: {  	_ =	swait.ge [sflag:s24], $0x2000  }
0xab: {  	[sflag:s24] =	ssyncset.done $0x0  }
0xac: {  	s13 =	smov.u32 s10;
	[sflag:s24] =	ssyncadd.s32 $0xFFFFE000  }
0xad: {  	s12 =	smin.u32 s13, $0xFD;
	_ =	swait.ge [sflag:s24], $0x1200  }
0xae: {  	s12 =	sshll.u32 s12, $0x1;
	s5 =	rddreg [dreg:$0x4]  }
0xaf: {  	s5 =	sadd.s32 s12, s5  }
0xb0: {  	s5 =	smul.u32 $0x19, s5  }
0xb1: {  	[sflag:s24] =	ssyncset.done $0x0  }
0xb2: {  	[sflag:s24] =	ssyncadd.s32 $0xFFFFEE00;
	s5 =	sadd.s32 s3, s5  }
0xb3: {  	[tilespmem:s2], [sflag:$0x1] =	stream.linear.gather [hbm4b:s5+s2], $0x190, $0x38;
	[tilespmem:$0x14B20] =	vst v63  }
0xb4: {  	_ = 	snop  }
0xb5: {  	[hbm4b:s11+s2] =	stream.linear.scatter [tilespmem:s17], [sflag:$0x5], $0x6400, $0x38;
	[tilespmem:$0x14B20] =	vst v63  }
0xb6: {  	_ =	swait.ge [sflag:s7], $0x6400  }
0xb7: {  	[sflag:s7] =	ssyncset.done $0x0  }
0xb8: {  	[sflag:s7] =	ssyncadd.s32 $0xFFFF9C00  }
0xb9: {  	_ =	swait.ge [sflag:s8], $0x190  }
0xba: {  	[sflag:s8] =	ssyncset.done $0x0  }
0xbb: {  	[sflag:s8] =	ssyncadd.s32 $0xFFFFFE70  }
0xbc: {  	[tilespmem:s25], [sflag:$0x4] =	stream.indirect.gather [spmem:s1], $0x40, s14, s16, $0xb8;
	[tilespmem:$0x14B20] =	vst v63  }
0xbd: {  	_ = 	snop  }
0xbe: {  	[tilespmem:s28], [sflag:$0x4] =	stream.indirect.gather [spmem:s1], $0x40, s26, s18, $0xb8;
	[tilespmem:$0x14B20] =	vst v63  }
0xbf: {  	_ = 	snop  }
0xc0: {  	[tilespmem:s30], [sflag:$0x4] =	stream.indirect.gather [spmem:s1], $0x40, s29, s16, $0xb8;
	[tilespmem:$0x14B20] =	vst v63  }
0xc1: {  	_ = 	snop  }
0xc2: {  	[tilespmem:s0], [sflag:$0x4] =	stream.indirect.gather [spmem:s1], $0x40, s31, s18, $0xb8;
	[tilespmem:$0x14B20] =	vst v63  }
0xc3: {  	_ =	swait.ge [sflag:s4], $0x2000  }
0xc4: {  	[sflag:s4] =	ssyncset.done $0x0  }
0xc5: {  	[sflag:s4] =	ssyncadd.s32 $0xFFFFE000  }
0xc6: {  	_ =	swait.ge [sflag:s4], $0x1200  }
0xc7: {  	[sflag:s4] =	ssyncset.done $0x0  }
0xc8: {  	[sflag:s4] =	ssyncadd.s32 $0xFFFFEE00  }
0xc9: {  	_ =	swait.ge [sflag:s4], $0x2000  }
0xca: {  	[sflag:s4] =	ssyncset.done $0x0  }
0xcb: {  	[sflag:s4] =	ssyncadd.s32 $0xFFFFE000  }
0xcc: {  	s13 =	smin.u32 s13, $0xFC;
	_ =	swait.ge [sflag:s4], $0x1200  }
0xcd: {  	p1 =	sne.s32 s10, $0xFE;
	s12 =	sshll.u32 s13, $0x1;
	s5 =	rddreg [dreg:$0x5]  }
.Ltmp0:
0xce: {  	s5 =	sadd.s32 s12, s5;
	(pc) =	sbr.rel @p1 .LBB2_2-.Ltmp0, $4  }
0xcf: {  	s5 =	smul.u32 $0x19, s5  }
0xd0: {  	s10 =	sadd.s32 $0x2, s10;
	s13 =	sadd.s32 $0xC80, s11;
	[sflag:s4] =	ssyncset.done $0x0  }
0xd1: {  	s11 =	sadd.s32 $0x1900, s11;
	[sflag:s4] =	ssyncadd.s32 $0xFFFFEE00;
	s5 =	sadd.s32 s3, s5  }
0xd2: {  	[tilespmem:s14], [sflag:$0x2] =	stream.linear.gather [hbm4b:s5+s2], $0x190, $0x38;
	[tilespmem:$0x14B20] =	vst v63  }
0xd3: {  	[hbm4b:s13+s2] =	stream.linear.scatter [tilespmem:s25], [sflag:$0x6], $0x6400, $0x38;
	[tilespmem:$0x14B20] =	vst v63  }
0xd4: {  	_ =	swait.ge [sflag:s6], $0x6400  }
0xd5: {  	[sflag:s6] =	ssyncset.done $0x0  }
0xd6: {  	[sflag:s6] =	ssyncadd.s32 $0xFFFF9C00  }
0xd7: {  	_ =	swait.ge [sflag:s15], $0x190  }
0xd8: {  	[sflag:s15] =	ssyncset.done $0x0  }
0xd9: {  	[sflag:s15] =	ssyncadd.s32 $0xFFFFFE70  }
0xda: {  	_ =	swait.ge [sflag:s7], $0x6400  }
0xdb: {  	[sflag:s7] =	ssyncset.done $0x0  }
0xdc: {  	[sflag:s7] =	ssyncadd.s32 $0xFFFF9C00  }
0xdd: {  	_ =	swait.ge [sflag:s8], $0x190  }
0xde: {  	s9 =	sadd.s32 $0x1, s9;
	s5 =	rddreg [dreg:$0xd]  }
0xdf: {  	p1 =	sne.s32 s9, s5  }
.Ltmp1:
0xe0: {  	_ = 	snop;
	(pc) =	sbr.rel @p1 .LBB2_1-.Ltmp1, $3  }
0xe1: {  	_ =	sdelay $0x1  }
0xe2: {  	[sflag:s8] =	ssyncset.done $0x0  }
0xe3: {  	[sflag:s8] =	ssyncadd.s32 $0xFFFFFE70  }
0xe4: {  	_ =	sfence.sel $0x180000  }
0xe5: {  	[bflag:$0x0] =	sbarrier.arrive $0xFFFF  }
0xe6: {  	_ =	strace $0x90000047  }
0xe7: {  	[bflag:$0x2] =	sbarrier.arrive $0xFFFF  }
0xe8: {  	s0 =	rddreg [dreg:$0x3]  }
0xe9: {  	s0 =	sadd.s32 @!p0 $0x100000, s0  }
0xea: {  	[sflag:s0] =	ssyncadd.tile.s32 @!p0 $0x1;
	_ =	shalt  }
.Lfunc_end2:
_tile_overlayer_lowered:
.L_overlay_start_2:
0xeb: {  	(tag) =	ssettag $0x2  }
0xec: {  	s0 =	rddreg [dreg:$0x0];
	s2 =	stileid.u32  }
0xed: {  	s1 =	rddreg [dreg:$0x1];
	p0 =	sne.s32 s2, $0x0  }
0xee: {  	s3 =	rddreg [dreg:$0x2];
	[bflag:$0x3] =	sbarrier.arrive $0xFFFF;
	s2 =	simm.s32 @!p0 $0x1C07  }
0xef: {  	[timem:s3], [sflag:s2] =	dma.local @!p0 [hbm:s0], s1  }
0xf0: {  	s0 =	simm.s32 @!p0 $0x7  }
0xf1: {  	_ =	swait.ge @!p0 [sflag:s0], s1  }
0xf2: {  	s1 =	ssub.s32 @!p0 $0x0, s1;
	[sflag:s0] =	ssyncset.done @!p0 $0x0  }
0xf3: {  	[sflag:s0] =	ssyncadd.s32 @!p0 s1  }
0xf4: {  	[bflag:$0x3] =	sbarrier.arrive $0xFFFF  }
0xf5: {  	_ =	shalt  }

// kernel: sparse-core-data-format-call.cloned.1.call-start
scs
called_computation_lowered:
.L_overlay_start_0:
0x0: {  	s2 =	sld [smem:$0x3FD9]  }
0x1: {  	s3 =	sld [smem:$0x3FFE];
	_ =	sdelay $0x1  }
0x2: {  	s1 =	srdreg.scid  }
0x3: {  	s0 =	sand.u32 $0x1, s1  }
0x4: {  	s18 =	sshll.u32 s0, $0xA;
	s2 =	sadd.s32 s3, s2  }
0x5: {  	s2 =	sadd.s32 s2, s18  }
0x6: {  	[smem:$0x3FC6] =	sst s2  }
0x7: {  	_ = 	snop  }
0x8: {  	s2 =	sld [smem:$0x3FD0];
	(tm) =	ssettm $0x1  }
0x9: {  	s19 =	sld [smem:$0x3FFB];
	_ =	sdelay $0x3  }
0xa: {  	_ =	strace s19  }
0xb: {  	s3 =	sld [smem:$0x3FFC];
	_ =	sdelay $0x3  }
0xc: {  	_ =	strace s3  }
0xd: {  	s3 =	sld [smem:$0x3FFD];
	_ =	sdelay $0x3  }
0xe: {  	_ =	strace s3  }
0xf: {  	_ =	strace $0x8FFFFFFF  }
0x10: {  	s20 =	sld [smem:$0x3FDB];
	_ =	sdelay $0x1  }
0x11: {  	s4 =	simm.s32 $_scs_section_size  }
0x12: {  	s5 =	simm.s32 $_size__tile_overlayer_lowered;
	s6 =	simm.s32 $_tile_overlayer_lowered  }
0x13: {  	s23 =	simm.s32 $0x1BFF;
	s22 =	sshll.u32 s6, $0x1;
	s3 =	sadd.s32 s4, s20  }
0x14: {  	s7 =	simm.s32 $0x0;
	s21 =	sshll.u32 s5, $0x1;
	s5 =	sadd.s32 s22, s3  }
0x15: {  	[timem:s7], [sflag:s23] =	dma.local [hbm:s5], s21  }
0x16: {  	_ =	swait.ge [sflag:s23], s21  }
0x17: {  	s4 =	ssub.s32 $0x0, s21;
	[sflag:s23] =	ssyncset.done $0x0  }
0x18: {  	[sflag:s23] =	ssyncadd.s32 s4;
	_ =	sdelay $0x1  }
0x19: {  	s24 =	simm.s32 $0x1B8B  }
0x1a: {  	_ =	swait.ge [sflag:s24], $0x1  }
0x1b: {  	[sflag:s24] =	ssyncset.done $0x0  }
0x1c: {  	s26 =	simm.s32 $0x1B8E;
	s25 =	sld [smem:$0x3FFE];
	[sflag:s24] =	ssyncadd.s32 $0xFFFFFFFF  }
0x1d: {  	s27 =	simm.s32 $execute0_lowered;
	[smem:$0x3FD2] =	sst s26  }
0x1e: {  	s5 =	sshll.u32 s27, $0x1;
	_ =	strace $0x80000049;
	[dreg:$0x1] =	wrdreg $0xFFFFFFFF  }
0x1f: {  	s28 =	simm.s32 $_size_execute0_lowered;
	s3 =	sadd.s32 s3, s5;
	[dreg:$0x0] =	wrdreg $0x0  }
0x20: {  	s5 =	sshll.u32 s28, $0x1;
	[dreg:$0x2] =	wrdreg s3  }
0x21: {  	[dreg:$0x3] =	wrdreg s5  }
0x22: {  	[dreg:$0x4] =	wrdreg $0xC0  }
0x23: {  	_ =	task [dreg:s7], $0x5FFFF  }
0x24: {  	[dreg:$0x1] =	wrdreg $0xFFFFFFFF  }
0x25: {  	[dreg:$0x0] =	wrdreg $0x60  }
0x26: {  	[dreg:$0x2] =	wrdreg s25  }
0x27: {  	[dreg:$0x3] =	wrdreg s2  }
0x28: {  	[dreg:$0x4] =	wrdreg $0x9  }
0x29: {  	_ =	task.clear_ibuf [dreg:s7], $0x5FFFF;
	_ =	strace $0x90000049  }
0x2a: {  	s29 =	simm.s32 $0x9;
	_ =	strace $0x8000004B  }
0x2b: {  	_ =	swait.ge [sflag:s29], $0x1  }
0x2c: {  	[sflag:s29] =	ssyncadd.s32 $0xFFFFFFFF  }
0x2d: {  	_ =	strace $0x9000004B  }
0x2e: {  	_ =	sfence  }
0x2f: {  	s30 =	sld [smem:$0x0];
	_ =	sdelay $0x2  }
0x30: {  	s31 =	sshll.u32 s1, $0xD;
	s1 =	sshrl.u32 s1, $0x2  }
0x31: {  	s3 =	sand.u32 $0x4000, s31;
	s1 =	sadd.s32 s1, s30  }
0x32: {  	s0 =	sor.u32 s3, s0;
	s1 =	sshll.u32 s1, $0x11  }
0x33: {  	s0 =	sor.u32 s1, s0  }
0x34: {  	s0 =	sadd.s32 $0x8F2B, s0  }
0x35: {  	[sflag:s0] =	ssyncadd.remote.s32 $0x1  }
0x36: {  	_ =	sfence.sel $0xFFFF  }
0x37: {  	[dreg:$0x0] =	wrdreg $0xFFFFFFFF;
	(pc) =	sbr.abs _section_cstart, $3  }
0x38: {  	[dreg:$0x1] =	wrdreg $0xFFFFFFFF  }
0x39: {  	_ =	task.clear_ibuf [dreg:s7], $0x2FFFF;
	_ =	strace $0x9FFFFFFF  }
0x3a: {  	(tm) =	ssettm $0x7FFFFFFF  }
0x3b: {  	_ =	shalt  }
tec
execute0_lowered:
.L_overlay_start_1:
0x0: {  	(tag) =	ssettag $0x1  }
0x1: {  	s0 =	srdreg.scid  }
0x2: {  	s1 =	sshll.u32 s0, $0x4  }
0x3: {  	s0 =	stileid.u32;
	s1 =	sand.u32 $0x10, s1  }
0x4: {  	s1 =	sor.u32 s0, s1  }
0x5: {  	s6 =	rddreg [dreg:$0x0];
	s4 =	simm.s32 $0x1;
	s2 =	sshll.u32 s1, $0x7  }
0x6: {  	s7 =	simm.s32 $0x2;
	s12 =	simm.s32 $0x0;
	s1 =	ssub.s32 $0x4000, s2  }
0x7: {  	s8 =	simm.s32 $0x20000;
	s13 =	simm.s32 $0x0;
	s3 =	sand.u32 $0xF80, s1  }
0x8: {  	s9 =	simm.s32 $0x0;
	s5 =	sshrl.u32 s1, $0xC;
	p0 =	sne.s32 s3, $0x0  }
.Ltmp0:
0x9: {  	s1 =	rddreg [dreg:$0x2];
	s4 =	simm.s32 @!p0 $0x0;
	(pc) =	sbr.rel .LBB1_1-.Ltmp0, $4  }
0xa: {  	s11 =	simm.s32 $0x0;
	s3 =	rddreg [dreg:$0x1];
	s5 =	sadd.s32 s4, s5  }
0xb: {  	_ =	strace $0x8000004A;
	s4 =	simm.s32 $0x1;
	s5 =	smul.u32 $0xC8, s5  }
0xc: {  	s6 =	sadd.s32 $0x800, s6;
	s10 =	smov.u32 s2;
	[sflag:s4] =	ssyncpa.u1 $0x0  }
0xd: {  	p0 =	por $0x0, $0x0;
	[sflag:s7] =	ssyncpa.u1 $0x0;
	s7 =	sor.u32 $0x1, s5  }
.LBB1_4:
0xe: {  	s16 =	sshll.u32 s13, $0x3;
	s17 =	sand.u32 $0x78, s13  }
0xf: {  	s30 =	sand.u32 $0x1F800, s13;
	s12 =	sshll.u32 s12, $0x11;
	s16 =	sand.u32 $0x3C00, s16  }
0x10: {  	[tilespmem:s15+$0x810 ss:$0x81] =	vst.msk $0xffff, v2;
	s31 =	sand.u32 $0x7, s13;
	s16 =	sor.u32 s17, s16;
	s17 =	sadd.s32 s3, s30  }
0x11: {  	[tilespmem:s15+$0x1020 ss:$0x81] =	vst.msk $0xffff, v0;
	s13 =	sshll.u32 s31, $0x12;
	s12 =	sadd.s32 s12, s17;
	s16 =	sshrl.u32 s16, $0x3  }
0x12: {  	[tilespmem:s15+$0x0 ss:$0x81] =	vst.msk $0xffff, v1;
	s13 =	sor.u32 $0x400, s13;
	s12 =	sadd.s32 s16, s12  }
0x13: {  	[hbm4b:s12+s13] =	stream.strided.scatter [tilespmem:s14], [sflag:$0x2], $0x2000, s8, s13, $0x20;
	[tilespmem:$0x8080] =	vst v63  }
.LBB1_5:
0x14: {  	s14 =	sadd.s32 $0x1, s9  }
0x15: {  	s12 =	sadd.s32 $0x1000, s10;
	s16 =	smov.u32 s10;
	p2 =	sgt.s32 s14, $0xC7  }
0x16: {  	s16 =	smov.u32 @p2 s12  }
0x17: {  	s14 =	simm.s32 @p2 $0x0;
	p2 =	sgt.s32 s16, $0x3FFF  }
0x18: {  	s16 =	smov.u32 @p2 s2;
	p2 =	sne.s32 s11, s7  }
.Ltmp1:
0x19: {  	p1 =	slt.u32 s11, $0x2;
	(pc) =	sbr.rel @!p2 .LBB1_6-.Ltmp1, $4  }
0x1a: {  	s15 =	simm.s32 @!p1 $0x2  }
0x1b: {  	s13 =	smov.u32 s10;
	p0 =	por !p0, !p0;
	_ =	swait.ge @!p1 [sflag:s15], $0x2000  }
0x1c: {  	s12 =	smov.u32 s9;
	[sflag:s15] =	ssyncset.done @!p1 $0x0;
	s9 =	smov.u32 s14  }
0x1d: {  	s11 =	sadd.s32 $0x1, s11;
	[sflag:s15] =	ssyncadd.s32 @!p1 $0xFFFFE000;
	s10 =	smov.u32 s16  }
.LBB1_1:
0x1e: {  	p1 =	sge.u32 s11, s5  }
0x1f: {  	s14 =	sand.u32 @!p1 $0x1FFFFFF, s9  }
0x20: {  	s15 =	smulhi.u32 @!p1 $0x147AE15, s14;
	_ =	sdelay $0x1  }
0x21: {  	s15 =	smul.u32 @!p1 $0xC8, s15  }
0x22: {  	s16 =	sxor.u32 @!p1 $0xFFFFFFFF, s11;
	s17 =	smul.u32 @!p1 $0xC80, s10  }
0x23: {  	s31 =	sadd.s32 $0xFFFFFFFF, s11;
	s16 =	sshll.u32 @!p1 s16, $0xD;
	s14 =	ssub.s32 @!p1 s14, s15  }
0x24: {  	s15 =	sand.u32 @!p1 $0x2000, s16;
	s16 =	sadd.s32 @!p1 s6, s17;
	s14 =	sshll.u32 @!p1 s14, $0x4  }
0x25: {  	s17 =	simm.s32 @!p1 $0x6400;
	s14 =	sadd.s32 @!p1 s14, s16;
	s16 =	simm.s32 @!p1 $0x40  }
0x26: {  	[tilespmem:s15], [sflag:$0x1] =	stream.strided.gather @!p1 [hbm4b:s14+s16], $0x2000, s17, s16, $0x38;
	[tilespmem:$0x8080] =	vst v63  }
0x27: {  	p1 =	sge.u32 s31, s5  }
.Ltmp2:
0x28: {  	_ = 	snop;
	(pc) =	sbr.rel @p1 .LBB1_5-.Ltmp2, $1  }
0x29: {  	_ =	sdelay $0x3  }
0x2a: {  	s14 =	simm.s32 $0x1  }
0x2b: {  	_ =	swait.ge [sflag:s4], $0x2000;
	s14 =	simm.s32 @!p0 $0x0  }
0x2c: {  	[sflag:s4] =	ssyncset.done $0x0;
	s15 =	sshll.u32 s14, $0xD  }
0x2d: {  	[sflag:s4] =	ssyncadd.s32 $0xFFFFE000;
	s18 =	sor.u32 $0x20, s15  }
0x2e: {  	s14 =	smul.u32 $0x8100, s14;
	v3 =	vld [tilespmem:s18+$0x10]  }
0x2f: {  	s30 =	sand.u32 $0x1, s11;
	v2 =	vld [tilespmem:s18+$0xFFFFFFF0]  }
0x30: {  	s15 =	smul.u32 $0x8100, s30;
	s14 =	sshrl.u32 s14, $0x2;
	v0 =	vld [tilespmem:s18+$0x0]  }
0x31: {  	v1 =	vld [tilespmem:s18+$0xFFFFFFE0];
	s16 =	sor.u32 $0x4000, s14  }
0x32: {  	s31 =	sshrl.u32 s15, $0x2;
	s15 =	sadd.s32 $0x0, s16  }
0x33: {  	s17 =	simm.s32 $0x4;
	s18 =	sadd.s32 $0x40, s18;
	s14 =	sor.u32 $0x4000, s31;
	[tilespmem:s15+$0x1830 ss:$0x81] =	vst.msk $0xffff, v3  }
.LBB1_3:
0x34: {  	v3 =	vld [tilespmem:s18+$0x10];
	p1 =	sne.s32 s17, $0x1FC;
	[tilespmem:s15+$0x810 ss:$0x81] =	vst.msk $0xffff, v2;
	s19 =	smov.u32 s17;
	s17 =	sadd.s32 $0x4, s17  }
.Ltmp3:
0x35: {  	v2 =	vld [tilespmem:s18+$0xFFFFFFF0];
	[tilespmem:s15+$0x1020 ss:$0x81] =	vst.msk $0xffff, v0;
	(pc) =	sbr.rel @p1 .LBB1_3-.Ltmp3, $4  }
0x36: {  	v0 =	vld [tilespmem:s18+$0x0];
	[tilespmem:s15+$0x0 ss:$0x81] =	vst.msk $0xffff, v1  }
0x37: {  	s15 =	sshra.s32 s19, $0x2;
	v1 =	vld [tilespmem:s18+$0xFFFFFFE0]  }
0x38: {  	s15 =	sadd.s32 s15, s16  }
0x39: {  	s18 =	sadd.s32 $0x40, s18;
	[tilespmem:s15+$0x1830 ss:$0x81] =	vst.msk $0xffff, v3  }
.Ltmp4:
0x3a: {  	_ = 	snop;
	(pc) =	sbr.rel .LBB1_4-.Ltmp4, $1  }
0x3b: {  	_ =	sdelay $0x3  }
.LBB1_6:
0x3c: {  	_ =	sfence.sel $0x180000  }
0x3d: {  	s2 =	simm.s32 $0x1;
	[bflag:$0x0] =	sbarrier.arrive $0xFFFF  }
0x3e: {  	s31 =	simm.s32 $0x2;
	[sflag:s2] =	ssyncpa.u1 $0x1  }
0x3f: {  	[sflag:s31] =	ssyncpa.u1 $0x1  }
0x40: {  	p0 =	sne.s32 s0, $0x0;
	_ =	strace $0x9000004A  }
0x41: {  	s0 =	sadd.s32 @!p0 $0x100000, s1;
	[bflag:$0x2] =	sbarrier.arrive $0xFFFF  }
0x42: {  	[sflag:s0] =	ssyncadd.tile.s32 @!p0 $0x1;
	_ =	shalt  }
.Lfunc_end1:
_tile_overlayer_lowered:
.L_overlay_start_2:
0x43: {  	(tag) =	ssettag $0x2  }
0x44: {  	s0 =	rddreg [dreg:$0x0];
	s2 =	stileid.u32  }
0x45: {  	s1 =	rddreg [dreg:$0x1];
	p0 =	sne.s32 s2, $0x0  }
0x46: {  	s3 =	rddreg [dreg:$0x2];
	[bflag:$0x3] =	sbarrier.arrive $0xFFFF;
	s2 =	simm.s32 @!p0 $0x1C01  }
0x47: {  	[timem:s3], [sflag:s2] =	dma.local @!p0 [hbm:s0], s1  }
0x48: {  	s0 =	simm.s32 @!p0 $0x1  }
0x49: {  	_ =	swait.ge @!p0 [sflag:s0], s1  }
0x4a: {  	s1 =	ssub.s32 @!p0 $0x0, s1;
	[sflag:s0] =	ssyncset.done @!p0 $0x0  }
0x4b: {  	[sflag:s0] =	ssyncadd.s32 @!p0 s1  }
0x4c: {  	[bflag:$0x3] =	sbarrier.arrive $0xFFFF  }
0x4d: {  	_ =	shalt  }

</sc_bundles>
